<compile_context>
chip_gen: v7x
topology: tpu7x:2x2x1
jax: 0.10.2.dev20260603
libtpu: 0.0.44.dev20260713+nightly
codegen_flags: <defaults>
</compile_context>

<pallas_src>
import functools

import jax
import jax.numpy as jnp
from jax import lax
from jax.experimental import pallas as pl
from jax.experimental.pallas import tpu as pltpu
from jax.experimental.pallas import tpu_sc as plsc

PC_MIN = (0.0, -40.0, -3.0)
V_SIZE = (0.1, 0.1, 0.2)
R0, R1 = 0.4, 0.8
NS0, NS1 = 16, 32
N_PTS = 8192
N_VOX = 4096
C_IN = 16
V_TILE = 128
N_TILES = N_VOX // V_TILE
P_HALF = N_PTS // 2
P_CHUNK = N_PTS // N_TILES


def _centers(vi):
    vif = vi.astype(jnp.float32)
    cx = (vif[:, 3] + 0.5) * V_SIZE[0] + PC_MIN[0]
    cy = (vif[:, 2] + 0.5) * V_SIZE[1] + PC_MIN[1]
    cz = (vif[:, 1] + 0.5) * V_SIZE[2] + PC_MIN[2]
    return jnp.stack([cx, cy, cz], axis=1)


def _cumsum_lanes(x):
    n = x.shape[1]
    r = x
    sh = 1
    while sh < n:
        shifted = jnp.pad(r[:, :-sh], ((0, 0), (sh, 0)))
        r = r + shifted
        sh *= 2
    return r


def _cumsum2(x):
    x3 = x.reshape(V_TILE, 32, 128)
    r = x3
    sh = 1
    while sh < 128:
        r = r + jnp.pad(r[:, :, :-sh], ((0, 0), (0, 0), (sh, 0)))
        sh *= 2
    tot = r[:, :, 127]
    o = tot
    sh = 1
    while sh < 32:
        o = o + jnp.pad(o[:, :-sh], ((0, 0), (sh, 0)))
        sh *= 2
    off = o - tot
    r = r + jax.lax.broadcast_in_dim(off, (V_TILE, 32, 128), (0, 1))
    return r.reshape(V_TILE, P_HALF)


def _extract_kernel(vi_ref, pc_ref, pcc_ref, pf_ref,
                    w10_ref, b10_ref, w11b_ref, b11_ref,
                    idx0_ref, idx1_ref, cnt_ref, acat_ref):
    i = pl.program_id(0)
    half = i // (N_TILES // 2)

    xyz_c = pcc_ref[:, 1:4]
    f_c = pf_ref[:]
    a0 = (jnp.dot(xyz_c, w10_ref[0:3, :],
                  preferred_element_type=jnp.float32,
                  precision=jax.lax.Precision.HIGHEST)
          + jnp.dot(f_c, w10_ref[3:3 + C_IN, :],
                    preferred_element_type=jnp.float32,
                    precision=jax.lax.Precision.HIGHEST)
          + b10_ref[0, :][None, :])
    a1 = (jnp.dot(xyz_c, w11b_ref[0:3, :],
                  preferred_element_type=jnp.float32,
                  precision=jax.lax.Precision.HIGHEST)
          + jnp.dot(f_c, w11b_ref[3:3 + C_IN, :],
                    preferred_element_type=jnp.float32,
                    precision=jax.lax.Precision.HIGHEST)
          + b11_ref[0, :][None, :])
    acat_ref[:, :] = jnp.concatenate(
        [a0, a1, jnp.zeros((P_CHUNK, 96), jnp.float32)], axis=1)

    c = _centers(vi_ref[:])
    px = pc_ref[:, 1]
    py = pc_ref[:, 2]
    pz = pc_ref[:, 3]
    dx = c[:, 0][:, None] - px[None, :]
    dy = c[:, 1][:, None] - py[None, :]
    dz = c[:, 2][:, None] - pz[None, :]
    d2 = dx * dx + dy * dy + dz * dz

    valid0 = d2 < (R0 * R0)
    valid1 = d2 < (R1 * R1)
    v0f = valid0.astype(jnp.float32)
    v1f = valid1.astype(jnp.float32)
    rank0 = _cumsum2(v0f)
    rank1 = _cumsum2(v1f)
    code0 = jnp.where(valid0 & (rank0 <= float(NS0)), rank0, 0.0)
    code1 = jnp.where(valid1 & (rank1 <= float(NS1)), rank1, 0.0)

    cnt0 = rank0[:, P_HALF - 1]
    cnt1 = rank1[:, P_HALF - 1]
    cnt8 = jnp.stack([cnt0, cnt1, cnt0, cnt1, cnt0, cnt1, cnt0, cnt1],
                     axis=1).astype(jnp.int32)
    cnt_ref[:, :] = cnt8
    cm0 = jnp.max(cnt0)
    cm1 = jnp.max(cnt1)

    off = (half * P_HALF).astype(jnp.float32)
    jgo = jax.lax.broadcasted_iota(
        jnp.int32, (V_TILE, P_HALF), 1).astype(jnp.float32) + off

    idx0_ref[:, :] = jnp.zeros((V_TILE, NS0), jnp.int32)
    idx1_ref[:, :] = jnp.zeros((V_TILE, NS1), jnp.int32)
    for t in range(1, NS0 + 1):
        @pl.when(cm0 >= float(t))
        def _(t=t):
            sel = code0 == float(t)
            idx0_ref[:, t - 1] = jnp.sum(
                jnp.where(sel, jgo, 0.0), axis=1).astype(jnp.int32)
    for t in range(1, NS1 + 1):
        @pl.when(cm1 >= float(t))
        def _(t=t):
            sel = code1 == float(t)
            idx1_ref[:, t - 1] = jnp.sum(
                jnp.where(sel, jgo, 0.0), axis=1).astype(jnp.int32)


def _mlp_kernel(vi_ref, ag0_ref, ag1_ref, w10_ref, w11b_ref,
                w20_ref, b20_ref, w21_ref, b21_ref, cnt_ref, out_ref):
    c = _centers(vi_ref[:])

    def group(ag_ref, w1_ref, w2_ref, b2_ref, ns, cnt_col, col):
        b = jnp.dot(c, w1_ref[0:3, :],
                    preferred_element_type=jnp.float32,
                            precision=jax.lax.Precision.HIGHEST)
        b_rep = jnp.reshape(
            jax.lax.broadcast_in_dim(b, (V_TILE, ns, 16), (0, 2)),
            (V_TILE * ns, 16))
        h1 = jnp.maximum(ag_ref[:, col:col + 16] - b_rep, 0.0)
        h2 = jnp.maximum(
            jnp.dot(h1, w2_ref[:, :], preferred_element_type=jnp.float32,
                            precision=jax.lax.Precision.HIGHEST)
            + b2_ref[0, :][None, :], 0.0)
        c2 = h2.shape[1]
        h2r = jnp.reshape(h2, (V_TILE, ns, c2))
        cnt = cnt_ref[:, cnt_col]
        slot3 = jax.lax.broadcasted_iota(jnp.int32, (V_TILE, ns, c2), 1)
        cnt3 = jax.lax.broadcast_in_dim(cnt, (V_TILE, ns, c2), (0,))
        contrib = jnp.where(slot3 < cnt3, h2r, 0.0)
        return jnp.max(contrib, axis=1)

    o0 = group(ag0_ref, w10_ref, w20_ref, b20_ref, NS0, 0, 0)
    o1 = group(ag1_ref, w11b_ref, w21_ref, b21_ref, NS1, 1, 16)
    out_ref[:, :] = jnp.concatenate([o0, o1], axis=1)


_SC_NC = 2
_SC_NS = 16
_NW = _SC_NC * _SC_NS
_B0W = N_VOX * NS0 // _NW
_B1W = N_VOX * NS1 // _NW


_NBUF = 4
_R0W = _B0W // 128
_R1W = _B1W // 128


_CHUNK = 256


def _sc_gather_body(idx0_hbm, idx1_hbm, acat_hbm, out0_hbm, out1_hbm,
                    idx0_v, idx1_v, bufa, bufb, gsem, wsem):
    wid = lax.axis_index("s") * _SC_NC + lax.axis_index("c")
    pltpu.sync_copy(idx0_hbm.at[pl.ds(wid * _B0W, _B0W)], idx0_v)
    pltpu.sync_copy(idx1_hbm.at[pl.ds(wid * _B1W, _B1W)], idx1_v)

    def make_pair(idx_v, out_hbm, base_row):
        def pair(g, _):
            c0 = (2 * g) * _CHUNK
            c1 = (2 * g + 1) * _CHUNK
            ga = pltpu.async_copy(
                acat_hbm.at[idx_v.at[pl.ds(c0, _CHUNK)]], bufa, gsem)
            gb = pltpu.async_copy(
                acat_hbm.at[idx_v.at[pl.ds(c1, _CHUNK)]], bufb, gsem)
            ga.wait()
            wa = pltpu.async_copy(
                bufa, out_hbm.at[pl.ds(base_row + c0, _CHUNK)], wsem)
            gb.wait()
            wb = pltpu.async_copy(
                bufb, out_hbm.at[pl.ds(base_row + c1, _CHUNK)], wsem)
            wa.wait()
            wb.wait()
            return _
        return pair

    lax.fori_loop(0, _B0W // (2 * _CHUNK),
                  make_pair(idx0_v, out0_hbm, wid * _B0W), None)
    lax.fori_loop(0, _B1W // (2 * _CHUNK),
                  make_pair(idx1_v, out1_hbm, wid * _B1W), None)


@functools.lru_cache(maxsize=1)
def _sc_gather_built():
    return functools.partial(
        pl.kernel,
        mesh=plsc.VectorSubcoreMesh(core_axis_name="c", subcore_axis_name="s"),
        out_type=[
            jax.ShapeDtypeStruct((N_VOX * NS0, 128), jnp.float32),
            jax.ShapeDtypeStruct((N_VOX * NS1, 128), jnp.float32),
        ],
        scratch_types=[
            pltpu.VMEM((_B0W,), jnp.int32),
            pltpu.VMEM((_B1W,), jnp.int32),
            pltpu.VMEM((_CHUNK, 128), jnp.float32),
            pltpu.VMEM((_CHUNK, 128), jnp.float32),
            pltpu.SemaphoreType.DMA,
            pltpu.SemaphoreType.DMA,
        ],
    )(_sc_gather_body)


def _sc_gather(idx0_flat, idx1_flat, acat):
    return _sc_gather_built()(idx0_flat, idx1_flat, acat)


def kernel(p_coords, p_features, v_indices,
           g0_w0, g0_b0, g0_w1, g0_b1, g1_w0, g1_b0, g1_w1, g1_b1):
    b10 = g0_b0.reshape(1, -1)
    b11 = g1_b0.reshape(1, -1)
    b20 = g0_b1.reshape(1, -1)
    b21 = g1_b1.reshape(1, -1)

    grid = (N_TILES,)
    idx0, idx1, cnts, acat = pl.pallas_call(
        _extract_kernel,
        grid=grid,
        in_specs=[
            pl.BlockSpec((V_TILE, 4), lambda i: (i, 0)),
            pl.BlockSpec((P_HALF, 4), lambda i: (i // (N_TILES // 2), 0)),
            pl.BlockSpec((P_CHUNK, 4), lambda i: (i, 0)),
            pl.BlockSpec((P_CHUNK, C_IN), lambda i: (i, 0)),
            pl.BlockSpec((3 + C_IN, 16), lambda i: (0, 0)),
            pl.BlockSpec((1, 16), lambda i: (0, 0)),
            pl.BlockSpec((3 + C_IN, 16), lambda i: (0, 0)),
            pl.BlockSpec((1, 16), lambda i: (0, 0)),
        ],
        out_specs=[
            pl.BlockSpec((V_TILE, NS0), lambda i: (i, 0)),
            pl.BlockSpec((V_TILE, NS1), lambda i: (i, 0)),
            pl.BlockSpec((V_TILE, 8), lambda i: (i, 0)),
            pl.BlockSpec((P_CHUNK, 128), lambda i: (i, 0)),
        ],
        out_shape=[
            jax.ShapeDtypeStruct((N_VOX, NS0), jnp.int32),
            jax.ShapeDtypeStruct((N_VOX, NS1), jnp.int32),
            jax.ShapeDtypeStruct((N_VOX, 8), jnp.int32),
            jax.ShapeDtypeStruct((N_PTS, 128), jnp.float32),
        ],
    )(v_indices, p_coords, p_coords, p_features, g0_w0, b10, g1_w0, b11)

    ag0, ag1 = _sc_gather(idx0.reshape(-1), idx1.reshape(-1), acat)

    out = pl.pallas_call(
        _mlp_kernel,
        grid=grid,
        in_specs=[
            pl.BlockSpec((V_TILE, 4), lambda i: (i, 0)),
            pl.BlockSpec((V_TILE * NS0, 128), lambda i: (i, 0)),
            pl.BlockSpec((V_TILE * NS1, 128), lambda i: (i, 0)),
            pl.BlockSpec((3 + C_IN, 16), lambda i: (0, 0)),
            pl.BlockSpec((3 + C_IN, 16), lambda i: (0, 0)),
            pl.BlockSpec((16, 16), lambda i: (0, 0)),
            pl.BlockSpec((1, 16), lambda i: (0, 0)),
            pl.BlockSpec((16, 32), lambda i: (0, 0)),
            pl.BlockSpec((1, 32), lambda i: (0, 0)),
            pl.BlockSpec((V_TILE, 8), lambda i: (i, 0)),
        ],
        out_specs=pl.BlockSpec((V_TILE, NS0 + NS1), lambda i: (i, 0)),
        out_shape=jax.ShapeDtypeStruct((N_VOX, NS0 + NS1), jnp.float32),
    )(v_indices, ag0, ag1, g0_w0, g1_w0, g0_w1, b20, g1_w1, b21, cnts)

    return out

# --- scband reference (transcript-rebuilt; emitter-appended) ---
"""Pipeline reference for scband-p-to-v-module-26259430048532 (READ-ONLY COPY).

The authoritative reference and input builder live on the scoring server;
editing this copy changes nothing except your own understanding.
"""

import jax, jax.numpy as jnp
import numpy as np

PC_RANGE = [0.0, -40.0, -3.0, 70.4, 40.0, 1.0]
V_SIZE = [0.1, 0.1, 0.2]
RADII = [0.4, 0.8]
NSAMPLES = [16, 32]
C_IN = 16
MLPS = [[C_IN + 3, 16, 16], [C_IN + 3, 16, 32]]
N_PTS = 8192
N_VOX = 4096
BATCH = 2


def setup_inputs(seed: int = 0) -> dict:
    key = jax.random.key(seed)
    ks = jax.random.split(key, 16)
    lo = jnp.array(PC_RANGE[0:3], dtype=jnp.float32)
    hi = jnp.array(PC_RANGE[3:6], dtype=jnp.float32)
    xyz = jax.random.uniform(ks[0], (N_PTS, 3), dtype=jnp.float32) * (hi - lo) + lo
    p_bs = jnp.repeat(jnp.arange(BATCH, dtype=jnp.float32), N_PTS // BATCH)[:, None]
    p_coords = jnp.concatenate([p_bs, xyz], axis=1).astype(jnp.float32)
    p_features = jax.random.normal(ks[1], (N_PTS, C_IN), dtype=jnp.float32)
    v_bs = jnp.repeat(jnp.arange(BATCH, dtype=jnp.int32), N_VOX // BATCH)[:, None]
    z = jax.random.randint(ks[2], (N_VOX, 1), 0, 20)
    y = jax.random.randint(ks[3], (N_VOX, 1), 0, 800)
    x = jax.random.randint(ks[4], (N_VOX, 1), 0, 704)
    v_indices = jnp.concatenate([v_bs, z, y, x], axis=1)
    params = {}
    ki = 5
    for g, mlp in enumerate(MLPS):
        for l in range(len(mlp) - 1):
            params['g%d_w%d' % (g, l)] = jax.random.normal(ks[ki], (mlp[l], mlp[l + 1]), dtype=jnp.float32) / np.sqrt(mlp[l])
            ki += 1
            params['g%d_b%d' % (g, l)] = jnp.zeros((mlp[l + 1],), dtype=jnp.float32)
    out = {'p_coords': p_coords, 'p_features': p_features, 'v_indices': v_indices}
    out.update(params)
    return out


def _get_v_coords(v_indices):
    v_size = jnp.array(V_SIZE, dtype=jnp.float32)[None, :]
    min_r = jnp.array(PC_RANGE[0:3], dtype=jnp.float32)[None, :]
    v_xyz = (v_indices[:, jnp.array([3, 2, 1])].astype(jnp.float32) + 0.5) * v_size + min_r
    v_bs = v_indices[:, 0:1].astype(jnp.float32)
    return jnp.concatenate([v_bs, v_xyz], axis=1)


def _group(xyz, p_bs, feats, new_xyz, v_bs, radius, nsample):
    # stack-batched ball query: for each voxel center, take the FIRST nsample
    # points (in index order) within radius and the same batch, padding with
    # the first found index; voxels with no neighbors produce zero features.
    N = xyz.shape[0]
    dist2 = jnp.sum((new_xyz[:, None, :] - xyz[None, :, :]) ** 2, axis=-1)
    valid = (dist2 < radius * radius) & (v_bs[:, None] == p_bs[None, :])
    keyidx = jnp.where(valid, jnp.arange(N, dtype=jnp.int32)[None, :], N)
    idx_sorted = jnp.sort(keyidx, axis=1)[:, :nsample]
    cnt = jnp.sum(valid, axis=1)
    empty = cnt == 0
    first = idx_sorted[:, :1]
    pos = jnp.arange(nsample, dtype=jnp.int32)[None, :]
    idx = jnp.where(pos < jnp.minimum(cnt, nsample)[:, None], idx_sorted, first)
    idx = jnp.clip(idx, 0, N - 1)
    g_xyz = xyz[idx] - new_xyz[:, None, :]
    g_f = feats[idx]
    g = jnp.concatenate([g_xyz, g_f], axis=-1)
    g = jnp.where(empty[:, None, None], 0.0, g)
    return g


def _forward(p_coords, p_features, v_indices, params_list):
    v_coords = _get_v_coords(v_indices)
    xyz = p_coords[:, 1:4]
    p_bs = p_coords[:, 0].astype(jnp.int32)
    new_xyz = v_coords[:, 1:4]
    v_bs = v_indices[:, 0].astype(jnp.int32)
    outs = []
    for g in range(len(RADII)):
        grp = _group(xyz, p_bs, p_features, new_xyz, v_bs, RADII[g], NSAMPLES[g])
        h = grp
        for (w, b) in params_list[g]:
            # Conv2d 1x1 + BatchNorm(eval, identity stats) + ReLU
            h = jax.nn.relu(h @ w + b)
        outs.append(jnp.max(h, axis=1))
    return jnp.concatenate(outs, axis=-1)


def reference(p_coords, p_features, v_indices, g0_w0, g0_b0, g0_w1, g0_b1, g1_w0, g1_b0, g1_w1, g1_b1):
    params_list = [[(g0_w0, g0_b0), (g0_w1, g0_b1)], [(g1_w0, g1_b0), (g1_w1, g1_b1)]]
    return _forward(p_coords, p_features, v_indices, params_list)

if __name__ == "__main__":
    import jax
    _d = setup_inputs()
    print(jax.jit(kernel)(*tuple(_d.values())))

</pallas_src>

<mosaic_0001>
#map = affine_map<(d0, d1) -> (0)>
#map1 = affine_map<(d0, d1) -> (0, 0)>
module attributes {stable_mosaic.version = 14 : i64} {
  func.func @_sc_gather_body(%arg0: i32, %arg1: i32, %arg2: memref<65536xi32, #tpu.memory_space<hbm>>, %arg3: memref<131072xi32, #tpu.memory_space<hbm>>, %arg4: memref<8192x128xf32, #tpu.memory_space<hbm>>, %arg5: memref<65536x128xf32, #tpu.memory_space<hbm>>, %arg6: memref<131072x128xf32, #tpu.memory_space<hbm>>, %arg7: memref<2048xi32, #tpu.memory_space<vmem>>, %arg8: memref<4096xi32, #tpu.memory_space<vmem>>, %arg9: memref<256x128xf32, #tpu.memory_space<vmem>>, %arg10: memref<256x128xf32, #tpu.memory_space<vmem>>, %arg11: memref<!tpu.dma_semaphore, #tpu.memory_space<semaphore_mem>>, %arg12: memref<!tpu.dma_semaphore, #tpu.memory_space<semaphore_mem>>) attributes {dimension_semantics = [#tpu.dimension_semantics<core_parallel>, #tpu.dimension_semantics<subcore_parallel>], iteration_bounds = array<i64: 2, 16>, scalar_prefetch = 0 : i64, scratch_operands = 6 : i64, tpu.core_type = #tpu.core_type<sc_vector_subcore>, window_params = [{transform_indices = #map}, {transform_indices = #map}, {transform_indices = #map1}, {transform_indices = #map1}, {transform_indices = #map1}]} {
    %mul3A = arith.constant 2 : i32
    %mul3A_0 = arith.muli %arg1, %mul3A : i32
    %add3A = arith.addi %mul3A_0, %arg0 : i32
    %mul3A_1 = arith.constant 2048 : i32
    %mul3A_2 = arith.muli %add3A, %mul3A_1 : i32
    "tpu.region"() ({
      %run_scoped3A = tpu.sem_alloc : memref<!tpu.dma_semaphore, #tpu.memory_space<semaphore_mem>>
      %dma_start3A = tpu.memref_slice %arg2[%mul3A_2] : memref<65536xi32, #tpu.memory_space<hbm>> -> memref<2048xi32, #tpu.memory_space<hbm>>
      %dma_start3A_18 = tpu.memref_slice %arg2[%mul3A_2] : memref<65536xi32, #tpu.memory_space<hbm>> -> memref<2048xi32, #tpu.memory_space<hbm>>
      tpu.enqueue_dma source(%dma_start3A_18 : memref<2048xi32, #tpu.memory_space<hbm>>) target(%arg7 : memref<2048xi32, #tpu.memory_space<vmem>>) target_semaphore(%run_scoped3A : memref<!tpu.dma_semaphore, #tpu.memory_space<semaphore_mem>>)
      %dma_wait3A = tpu.memref_slice %arg2[%mul3A_2] : memref<65536xi32, #tpu.memory_space<hbm>> -> memref<2048xi32, #tpu.memory_space<hbm>>
      %dma_wait3A_19 = tpu.memref_slice %arg2[%mul3A_2] : memref<65536xi32, #tpu.memory_space<hbm>> -> memref<2048xi32, #tpu.memory_space<hbm>>
      tpu.wait_dma2 semaphore(%run_scoped3A : memref<!tpu.dma_semaphore, #tpu.memory_space<semaphore_mem>>) src(%dma_wait3A_19 : memref<2048xi32, #tpu.memory_space<hbm>>) dst(%arg7 : memref<2048xi32, #tpu.memory_space<vmem>>)
      tpu.yield
    }) : () -> ()
    %mul3A_3 = arith.constant 4096 : i32
    %mul3A_4 = arith.muli %add3A, %mul3A_3 : i32
    "tpu.region"() ({
      %run_scoped3A = tpu.sem_alloc : memref<!tpu.dma_semaphore, #tpu.memory_space<semaphore_mem>>
      %dma_start3A = tpu.memref_slice %arg3[%mul3A_4] : memref<131072xi32, #tpu.memory_space<hbm>> -> memref<4096xi32, #tpu.memory_space<hbm>>
      %dma_start3A_18 = tpu.memref_slice %arg3[%mul3A_4] : memref<131072xi32, #tpu.memory_space<hbm>> -> memref<4096xi32, #tpu.memory_space<hbm>>
      tpu.enqueue_dma source(%dma_start3A_18 : memref<4096xi32, #tpu.memory_space<hbm>>) target(%arg8 : memref<4096xi32, #tpu.memory_space<vmem>>) target_semaphore(%run_scoped3A : memref<!tpu.dma_semaphore, #tpu.memory_space<semaphore_mem>>)
      %dma_wait3A = tpu.memref_slice %arg3[%mul3A_4] : memref<131072xi32, #tpu.memory_space<hbm>> -> memref<4096xi32, #tpu.memory_space<hbm>>
      %dma_wait3A_19 = tpu.memref_slice %arg3[%mul3A_4] : memref<131072xi32, #tpu.memory_space<hbm>> -> memref<4096xi32, #tpu.memory_space<hbm>>
      tpu.wait_dma2 semaphore(%run_scoped3A : memref<!tpu.dma_semaphore, #tpu.memory_space<semaphore_mem>>) src(%dma_wait3A_19 : memref<4096xi32, #tpu.memory_space<hbm>>) dst(%arg8 : memref<4096xi32, #tpu.memory_space<vmem>>)
      tpu.yield
    }) : () -> ()
    %mul3A_5 = arith.constant 2048 : i32
    %mul3A_6 = arith.muli %add3A, %mul3A_5 : i32
    %scan3A = arith.constant 0 : i32
    %scan3A_7 = arith.constant 4 : i32
    %scan3A_8 = arith.addi %scan3A, %scan3A_7 : i32
    %scan3A_9 = arith.constant 1 : i32
    scf.for %scan3A_18 = %scan3A to %scan3A_8 step %scan3A_9  : i32 {
      %mul3A_19 = arith.constant 2 : i32
      %mul3A_20 = arith.muli %mul3A_19, %scan3A_18 : i32
      %mul3A_21 = arith.constant 256 : i32
      %mul3A_22 = arith.muli %mul3A_20, %mul3A_21 : i32
      %mul3A_23 = arith.constant 2 : i32
      %mul3A_24 = arith.muli %mul3A_23, %scan3A_18 : i32
      %add3A_25 = arith.constant 1 : i32
      %add3A_26 = arith.addi %mul3A_24, %add3A_25 : i32
      %mul3A_27 = arith.constant 256 : i32
      %mul3A_28 = arith.muli %add3A_26, %mul3A_27 : i32
      %dma_start3A = tpu.memref_slice %arg7[%mul3A_22] : memref<2048xi32, #tpu.memory_space<vmem>> -> memref<256xi32, #tpu.memory_space<vmem>>
      %dma_start3A_29 = arith.constant 0 : i32
      %dma_start3A_30 = arith.constant 0 : i32
      %dma_start3A_31 = tpu.memref_slice %arg4[%dma_start3A_29, %dma_start3A_30] : memref<8192x128xf32, #tpu.memory_space<hbm>> -> memref<8192x128xf32, #tpu.memory_space<hbm>>
      tpu.enqueue_indirect_dma source(%dma_start3A_31 : memref<8192x128xf32, #tpu.memory_space<hbm>>) target(%arg9 : memref<256x128xf32, #tpu.memory_space<vmem>>) offsets(%dma_start3A : memref<256xi32, #tpu.memory_space<vmem>>) semaphore(%arg11 : memref<!tpu.dma_semaphore, #tpu.memory_space<semaphore_mem>>)
      %dma_start3A_32 = tpu.memref_slice %arg7[%mul3A_28] : memref<2048xi32, #tpu.memory_space<vmem>> -> memref<256xi32, #tpu.memory_space<vmem>>
      %dma_start3A_33 = arith.constant 0 : i32
      %dma_start3A_34 = arith.constant 0 : i32
      %dma_start3A_35 = tpu.memref_slice %arg4[%dma_start3A_33, %dma_start3A_34] : memref<8192x128xf32, #tpu.memory_space<hbm>> -> memref<8192x128xf32, #tpu.memory_space<hbm>>
      tpu.enqueue_indirect_dma source(%dma_start3A_35 : memref<8192x128xf32, #tpu.memory_space<hbm>>) target(%arg10 : memref<256x128xf32, #tpu.memory_space<vmem>>) offsets(%dma_start3A_32 : memref<256xi32, #tpu.memory_space<vmem>>) semaphore(%arg11 : memref<!tpu.dma_semaphore, #tpu.memory_space<semaphore_mem>>)
      %dma_wait3A = tpu.memref_slice %arg7[%mul3A_22] : memref<2048xi32, #tpu.memory_space<vmem>> -> memref<256xi32, #tpu.memory_space<vmem>>
      %dma_wait3A_36 = arith.constant 0 : i32
      %dma_wait3A_37 = arith.constant 0 : i32
      %dma_wait3A_38 = tpu.memref_slice %arg4[%dma_wait3A_36, %dma_wait3A_37] : memref<8192x128xf32, #tpu.memory_space<hbm>> -> memref<8192x128xf32, #tpu.memory_space<hbm>>
      tpu.wait_indirect_dma semaphore(%arg11 : memref<!tpu.dma_semaphore, #tpu.memory_space<semaphore_mem>>) src(%dma_wait3A_38 : memref<8192x128xf32, #tpu.memory_space<hbm>>) dst(%arg9 : memref<256x128xf32, #tpu.memory_space<vmem>>)
      %add3A_39 = arith.addi %mul3A_6, %mul3A_22 : i32
      %dma_start3A_40 = arith.constant 0 : i32
      %dma_start3A_41 = tpu.memref_slice %arg5[%add3A_39, %dma_start3A_40] : memref<65536x128xf32, #tpu.memory_space<hbm>> -> memref<256x128xf32, #tpu.memory_space<hbm>>
      %dma_start3A_42 = arith.constant 0 : i32
      %dma_start3A_43 = tpu.memref_slice %arg5[%add3A_39, %dma_start3A_42] : memref<65536x128xf32, #tpu.memory_space<hbm>> -> memref<256x128xf32, #tpu.memory_space<hbm>>
      tpu.enqueue_dma source(%arg9 : memref<256x128xf32, #tpu.memory_space<vmem>>) target(%dma_start3A_43 : memref<256x128xf32, #tpu.memory_space<hbm>>) target_semaphore(%arg12 : memref<!tpu.dma_semaphore, #tpu.memory_space<semaphore_mem>>)
      %dma_wait3A_44 = tpu.memref_slice %arg7[%mul3A_28] : memref<2048xi32, #tpu.memory_space<vmem>> -> memref<256xi32, #tpu.memory_space<vmem>>
      %dma_wait3A_45 = arith.constant 0 : i32
      %dma_wait3A_46 = arith.constant 0 : i32
      %dma_wait3A_47 = tpu.memref_slice %arg4[%dma_wait3A_45, %dma_wait3A_46] : memref<8192x128xf32, #tpu.memory_space<hbm>> -> memref<8192x128xf32, #tpu.memory_space<hbm>>
      tpu.wait_indirect_dma semaphore(%arg11 : memref<!tpu.dma_semaphore, #tpu.memory_space<semaphore_mem>>) src(%dma_wait3A_47 : memref<8192x128xf32, #tpu.memory_space<hbm>>) dst(%arg10 : memref<256x128xf32, #tpu.memory_space<vmem>>)
      %add3A_48 = arith.addi %mul3A_6, %mul3A_28 : i32
      %dma_start3A_49 = arith.constant 0 : i32
      %dma_start3A_50 = tpu.memref_slice %arg5[%add3A_48, %dma_start3A_49] : memref<65536x128xf32, #tpu.memory_space<hbm>> -> memref<256x128xf32, #tpu.memory_space<hbm>>
      %dma_start3A_51 = arith.constant 0 : i32
      %dma_start3A_52 = tpu.memref_slice %arg5[%add3A_48, %dma_start3A_51] : memref<65536x128xf32, #tpu.memory_space<hbm>> -> memref<256x128xf32, #tpu.memory_space<hbm>>
      tpu.enqueue_dma source(%arg10 : memref<256x128xf32, #tpu.memory_space<vmem>>) target(%dma_start3A_52 : memref<256x128xf32, #tpu.memory_space<hbm>>) target_semaphore(%arg12 : memref<!tpu.dma_semaphore, #tpu.memory_space<semaphore_mem>>)
      %dma_wait3A_53 = arith.constant 0 : i32
      %dma_wait3A_54 = tpu.memref_slice %arg5[%add3A_39, %dma_wait3A_53] : memref<65536x128xf32, #tpu.memory_space<hbm>> -> memref<256x128xf32, #tpu.memory_space<hbm>>
      %dma_wait3A_55 = arith.constant 0 : i32
      %dma_wait3A_56 = tpu.memref_slice %arg5[%add3A_39, %dma_wait3A_55] : memref<65536x128xf32, #tpu.memory_space<hbm>> -> memref<256x128xf32, #tpu.memory_space<hbm>>
      tpu.wait_dma2 semaphore(%arg12 : memref<!tpu.dma_semaphore, #tpu.memory_space<semaphore_mem>>) src(%arg9 : memref<256x128xf32, #tpu.memory_space<vmem>>) dst(%dma_wait3A_56 : memref<256x128xf32, #tpu.memory_space<hbm>>)
      %dma_wait3A_57 = arith.constant 0 : i32
      %dma_wait3A_58 = tpu.memref_slice %arg5[%add3A_48, %dma_wait3A_57] : memref<65536x128xf32, #tpu.memory_space<hbm>> -> memref<256x128xf32, #tpu.memory_space<hbm>>
      %dma_wait3A_59 = arith.constant 0 : i32
      %dma_wait3A_60 = tpu.memref_slice %arg5[%add3A_48, %dma_wait3A_59] : memref<65536x128xf32, #tpu.memory_space<hbm>> -> memref<256x128xf32, #tpu.memory_space<hbm>>
      tpu.wait_dma2 semaphore(%arg12 : memref<!tpu.dma_semaphore, #tpu.memory_space<semaphore_mem>>) src(%arg10 : memref<256x128xf32, #tpu.memory_space<vmem>>) dst(%dma_wait3A_60 : memref<256x128xf32, #tpu.memory_space<hbm>>)
    }
    %scan3A_10 = arith.constant 4 : i32
    %mul3A_11 = arith.constant 4096 : i32
    %mul3A_12 = arith.muli %add3A, %mul3A_11 : i32
    %scan3A_13 = arith.constant 0 : i32
    %scan3A_14 = arith.constant 8 : i32
    %scan3A_15 = arith.addi %scan3A_13, %scan3A_14 : i32
    %scan3A_16 = arith.constant 1 : i32
    scf.for %scan3A_18 = %scan3A_13 to %scan3A_15 step %scan3A_16  : i32 {
      %mul3A_19 = arith.constant 2 : i32
      %mul3A_20 = arith.muli %mul3A_19, %scan3A_18 : i32
      %mul3A_21 = arith.constant 256 : i32
      %mul3A_22 = arith.muli %mul3A_20, %mul3A_21 : i32
      %mul3A_23 = arith.constant 2 : i32
      %mul3A_24 = arith.muli %mul3A_23, %scan3A_18 : i32
      %add3A_25 = arith.constant 1 : i32
      %add3A_26 = arith.addi %mul3A_24, %add3A_25 : i32
      %mul3A_27 = arith.constant 256 : i32
      %mul3A_28 = arith.muli %add3A_26, %mul3A_27 : i32
      %dma_start3A = tpu.memref_slice %arg8[%mul3A_22] : memref<4096xi32, #tpu.memory_space<vmem>> -> memref<256xi32, #tpu.memory_space<vmem>>
      %dma_start3A_29 = arith.constant 0 : i32
      %dma_start3A_30 = arith.constant 0 : i32
      %dma_start3A_31 = tpu.memref_slice %arg4[%dma_start3A_29, %dma_start3A_30] : memref<8192x128xf32, #tpu.memory_space<hbm>> -> memref<8192x128xf32, #tpu.memory_space<hbm>>
      tpu.enqueue_indirect_dma source(%dma_start3A_31 : memref<8192x128xf32, #tpu.memory_space<hbm>>) target(%arg9 : memref<256x128xf32, #tpu.memory_space<vmem>>) offsets(%dma_start3A : memref<256xi32, #tpu.memory_space<vmem>>) semaphore(%arg11 : memref<!tpu.dma_semaphore, #tpu.memory_space<semaphore_mem>>)
      %dma_start3A_32 = tpu.memref_slice %arg8[%mul3A_28] : memref<4096xi32, #tpu.memory_space<vmem>> -> memref<256xi32, #tpu.memory_space<vmem>>
      %dma_start3A_33 = arith.constant 0 : i32
      %dma_start3A_34 = arith.constant 0 : i32
      %dma_start3A_35 = tpu.memref_slice %arg4[%dma_start3A_33, %dma_start3A_34] : memref<8192x128xf32, #tpu.memory_space<hbm>> -> memref<8192x128xf32, #tpu.memory_space<hbm>>
      tpu.enqueue_indirect_dma source(%dma_start3A_35 : memref<8192x128xf32, #tpu.memory_space<hbm>>) target(%arg10 : memref<256x128xf32, #tpu.memory_space<vmem>>) offsets(%dma_start3A_32 : memref<256xi32, #tpu.memory_space<vmem>>) semaphore(%arg11 : memref<!tpu.dma_semaphore, #tpu.memory_space<semaphore_mem>>)
      %dma_wait3A = tpu.memref_slice %arg8[%mul3A_22] : memref<4096xi32, #tpu.memory_space<vmem>> -> memref<256xi32, #tpu.memory_space<vmem>>
      %dma_wait3A_36 = arith.constant 0 : i32
      %dma_wait3A_37 = arith.constant 0 : i32
      %dma_wait3A_38 = tpu.memref_slice %arg4[%dma_wait3A_36, %dma_wait3A_37] : memref<8192x128xf32, #tpu.memory_space<hbm>> -> memref<8192x128xf32, #tpu.memory_space<hbm>>
      tpu.wait_indirect_dma semaphore(%arg11 : memref<!tpu.dma_semaphore, #tpu.memory_space<semaphore_mem>>) src(%dma_wait3A_38 : memref<8192x128xf32, #tpu.memory_space<hbm>>) dst(%arg9 : memref<256x128xf32, #tpu.memory_space<vmem>>)
      %add3A_39 = arith.addi %mul3A_12, %mul3A_22 : i32
      %dma_start3A_40 = arith.constant 0 : i32
      %dma_start3A_41 = tpu.memref_slice %arg6[%add3A_39, %dma_start3A_40] : memref<131072x128xf32, #tpu.memory_space<hbm>> -> memref<256x128xf32, #tpu.memory_space<hbm>>
      %dma_start3A_42 = arith.constant 0 : i32
      %dma_start3A_43 = tpu.memref_slice %arg6[%add3A_39, %dma_start3A_42] : memref<131072x128xf32, #tpu.memory_space<hbm>> -> memref<256x128xf32, #tpu.memory_space<hbm>>
      tpu.enqueue_dma source(%arg9 : memref<256x128xf32, #tpu.memory_space<vmem>>) target(%dma_start3A_43 : memref<256x128xf32, #tpu.memory_space<hbm>>) target_semaphore(%arg12 : memref<!tpu.dma_semaphore, #tpu.memory_space<semaphore_mem>>)
      %dma_wait3A_44 = tpu.memref_slice %arg8[%mul3A_28] : memref<4096xi32, #tpu.memory_space<vmem>> -> memref<256xi32, #tpu.memory_space<vmem>>
      %dma_wait3A_45 = arith.constant 0 : i32
      %dma_wait3A_46 = arith.constant 0 : i32
      %dma_wait3A_47 = tpu.memref_slice %arg4[%dma_wait3A_45, %dma_wait3A_46] : memref<8192x128xf32, #tpu.memory_space<hbm>> -> memref<8192x128xf32, #tpu.memory_space<hbm>>
      tpu.wait_indirect_dma semaphore(%arg11 : memref<!tpu.dma_semaphore, #tpu.memory_space<semaphore_mem>>) src(%dma_wait3A_47 : memref<8192x128xf32, #tpu.memory_space<hbm>>) dst(%arg10 : memref<256x128xf32, #tpu.memory_space<vmem>>)
      %add3A_48 = arith.addi %mul3A_12, %mul3A_28 : i32
      %dma_start3A_49 = arith.constant 0 : i32
      %dma_start3A_50 = tpu.memref_slice %arg6[%add3A_48, %dma_start3A_49] : memref<131072x128xf32, #tpu.memory_space<hbm>> -> memref<256x128xf32, #tpu.memory_space<hbm>>
      %dma_start3A_51 = arith.constant 0 : i32
      %dma_start3A_52 = tpu.memref_slice %arg6[%add3A_48, %dma_start3A_51] : memref<131072x128xf32, #tpu.memory_space<hbm>> -> memref<256x128xf32, #tpu.memory_space<hbm>>
      tpu.enqueue_dma source(%arg10 : memref<256x128xf32, #tpu.memory_space<vmem>>) target(%dma_start3A_52 : memref<256x128xf32, #tpu.memory_space<hbm>>) target_semaphore(%arg12 : memref<!tpu.dma_semaphore, #tpu.memory_space<semaphore_mem>>)
      %dma_wait3A_53 = arith.constant 0 : i32
      %dma_wait3A_54 = tpu.memref_slice %arg6[%add3A_39, %dma_wait3A_53] : memref<131072x128xf32, #tpu.memory_space<hbm>> -> memref<256x128xf32, #tpu.memory_space<hbm>>
      %dma_wait3A_55 = arith.constant 0 : i32
      %dma_wait3A_56 = tpu.memref_slice %arg6[%add3A_39, %dma_wait3A_55] : memref<131072x128xf32, #tpu.memory_space<hbm>> -> memref<256x128xf32, #tpu.memory_space<hbm>>
      tpu.wait_dma2 semaphore(%arg12 : memref<!tpu.dma_semaphore, #tpu.memory_space<semaphore_mem>>) src(%arg9 : memref<256x128xf32, #tpu.memory_space<vmem>>) dst(%dma_wait3A_56 : memref<256x128xf32, #tpu.memory_space<hbm>>)
      %dma_wait3A_57 = arith.constant 0 : i32
      %dma_wait3A_58 = tpu.memref_slice %arg6[%add3A_48, %dma_wait3A_57] : memref<131072x128xf32, #tpu.memory_space<hbm>> -> memref<256x128xf32, #tpu.memory_space<hbm>>
      %dma_wait3A_59 = arith.constant 0 : i32
      %dma_wait3A_60 = tpu.memref_slice %arg6[%add3A_48, %dma_wait3A_59] : memref<131072x128xf32, #tpu.memory_space<hbm>> -> memref<256x128xf32, #tpu.memory_space<hbm>>
      tpu.wait_dma2 semaphore(%arg12 : memref<!tpu.dma_semaphore, #tpu.memory_space<semaphore_mem>>) src(%arg10 : memref<256x128xf32, #tpu.memory_space<vmem>>) dst(%dma_wait3A_60 : memref<256x128xf32, #tpu.memory_space<hbm>>)
    }
    %scan3A_17 = arith.constant 8 : i32
    return
  }
}

module attributes {stable_mosaic.version = 14 : i64} {
  func.func @_extract_kernel(%arg0: i32, %arg1: memref<128x4xi32, #tpu.memory_space<vmem>>, %arg2: memref<4096x4xf32, #tpu.memory_space<vmem>>, %arg3: memref<256x4xf32, #tpu.memory_space<vmem>>, %arg4: memref<256x16xf32, #tpu.memory_space<vmem>>, %arg5: memref<19x16xf32, #tpu.memory_space<vmem>>, %arg6: memref<1x16xf32, #tpu.memory_space<vmem>>, %arg7: memref<19x16xf32, #tpu.memory_space<vmem>>, %arg8: memref<1x16xf32, #tpu.memory_space<vmem>>, %arg9: memref<128x16xi32, #tpu.memory_space<vmem>>, %arg10: memref<128x32xi32, #tpu.memory_space<vmem>>, %arg11: memref<128x8xi32, #tpu.memory_space<vmem>>, %arg12: memref<256x128xf32, #tpu.memory_space<vmem>>) attributes {dimension_semantics = [#tpu.dimension_semantics<arbitrary>], iteration_bounds = array<i64: 32>, scalar_prefetch = 0 : i64, scratch_operands = 0 : i64, tpu.core_type = #tpu.core_type<tc>, window_params = [{transform_indices = @transform_0, window_bounds = array<i64: 128, 4>}, {transform_indices = @transform_1, window_bounds = array<i64: 4096, 4>}, {transform_indices = @transform_2, window_bounds = array<i64: 256, 4>}, {transform_indices = @transform_3, window_bounds = array<i64: 256, 16>}, {pipeline_mode = #tpu.pipeline_mode<synchronous>, transform_indices = @transform_4, window_bounds = array<i64: 19, 16>}, {pipeline_mode = #tpu.pipeline_mode<synchronous>, transform_indices = @transform_5, window_bounds = array<i64: 1, 16>}, {pipeline_mode = #tpu.pipeline_mode<synchronous>, transform_indices = @transform_6, window_bounds = array<i64: 19, 16>}, {pipeline_mode = #tpu.pipeline_mode<synchronous>, transform_indices = @transform_7, window_bounds = array<i64: 1, 16>}, {transform_indices = @transform_8, window_bounds = array<i64: 128, 16>}, {transform_indices = @transform_9, window_bounds = array<i64: 128, 32>}, {transform_indices = @transform_10, window_bounds = array<i64: 128, 8>}, {transform_indices = @transform_11, window_bounds = array<i64: 256, 128>}]} {
    %jit3A = arith.constant 16 : i32
    %div3A = arith.divsi %arg0, %jit3A : i32
    %sign3A = arith.constant 0 : i32
    %sign3A_0 = arith.cmpi sgt, %arg0, %sign3A : i32
    %sign3A_1 = arith.extui %sign3A_0 : i1 to i32
    %sign3A_2 = arith.constant 0 : i32
    %sign3A_3 = arith.cmpi slt, %arg0, %sign3A_2 : i32
    %sign3A_4 = arith.extui %sign3A_3 : i1 to i32
    %sign3A_5 = arith.subi %sign3A_1, %sign3A_4 : i32
    %sign3A_6 = arith.constant 0 : i32
    %sign3A_7 = arith.cmpi sgt, %jit3A, %sign3A_6 : i32
    %sign3A_8 = arith.extui %sign3A_7 : i1 to i32
    %sign3A_9 = arith.constant 0 : i32
    %sign3A_10 = arith.cmpi slt, %jit3A, %sign3A_9 : i32
    %sign3A_11 = arith.extui %sign3A_10 : i1 to i32
    %sign3A_12 = arith.subi %sign3A_8, %sign3A_11 : i32
    %ne3A = arith.cmpi ne, %sign3A_5, %sign3A_12 : i32
    %rem3A = arith.remsi %arg0, %jit3A : i32
    %ne3A_13 = arith.constant 0 : i32
    %ne3A_14 = arith.cmpi ne, %rem3A, %ne3A_13 : i32
    %and3A = arith.andi %ne3A, %ne3A_14 : i1
    %sub3A = arith.constant 1 : i32
    %sub3A_15 = arith.subi %div3A, %sub3A : i32
    %select_n3A = arith.select %and3A, %sub3A_15, %div3A : i32
    %get3A = arith.constant 0 : index
    %get3A_16 = arith.constant 1 : index
    %get3A_17 = vector.load %arg3[%get3A, %get3A_16] : memref<256x4xf32, #tpu.memory_space<vmem>>, vector<256x3xf32>
    %get3A_18 = arith.constant 0 : index
    %get3A_19 = arith.constant 0 : index
    %get3A_20 = vector.load %arg4[%get3A_18, %get3A_19] : memref<256x16xf32, #tpu.memory_space<vmem>>, vector<256x16xf32>
    %get3A_21 = arith.constant 0 : index
    %get3A_22 = arith.constant 0 : index
    %get3A_23 = vector.load %arg5[%get3A_21, %get3A_22] : memref<19x16xf32, #tpu.memory_space<vmem>>, vector<3x16xf32>
    %dot_general3A = arith.constant dense<0.000000e+00> : vector<256x16xf32>
    %dot_general3A_24 = tpu.matmul %get3A_17, %get3A_23, %dot_general3A {dimension_numbers = #tpu.dot_dimension_numbers<[1], [0], [0], [1], [0, 0, 1, 1], [], []>, precision = #tpu.contract_precision<fp32>, transpose_lhs_hint = false} : vector<256x3xf32>, vector<3x16xf32>, vector<256x16xf32> -> vector<256x16xf32>
    %get3A_25 = arith.constant 3 : index
    %get3A_26 = arith.constant 0 : index
    %get3A_27 = vector.load %arg5[%get3A_25, %get3A_26] : memref<19x16xf32, #tpu.memory_space<vmem>>, vector<16x16xf32>
    %dot_general3A_28 = arith.constant dense<0.000000e+00> : vector<256x16xf32>
    %dot_general3A_29 = tpu.matmul %get3A_20, %get3A_27, %dot_general3A_28 {dimension_numbers = #tpu.dot_dimension_numbers<[1], [0], [0], [1], [0, 0, 1, 1], [], []>, precision = #tpu.contract_precision<fp32>, transpose_lhs_hint = false} : vector<256x16xf32>, vector<16x16xf32>, vector<256x16xf32> -> vector<256x16xf32>
    %add3A = arith.addf %dot_general3A_24, %dot_general3A_29 : vector<256x16xf32>
    %get3A_30 = arith.constant 0 : index
    %get3A_31 = arith.constant 0 : index
    %get3A_32 = vector.load %arg6[%get3A_30, %get3A_31] : memref<1x16xf32, #tpu.memory_space<vmem>>, vector<1x16xf32>
    %get3A_33 = vector.shape_cast %get3A_32 : vector<1x16xf32> to vector<16xf32>
    %broadcast_in_dim3A = vector.shape_cast %get3A_33 : vector<16xf32> to vector<1x16xf32>
    %add3A_34 = vector.broadcast %broadcast_in_dim3A : vector<1x16xf32> to vector<256x16xf32>
    %add3A_35 = arith.addf %add3A, %add3A_34 : vector<256x16xf32>
    %get3A_36 = arith.constant 0 : index
    %get3A_37 = arith.constant 0 : index
    %get3A_38 = vector.load %arg7[%get3A_36, %get3A_37] : memref<19x16xf32, #tpu.memory_space<vmem>>, vector<3x16xf32>
    %dot_general3A_39 = arith.constant dense<0.000000e+00> : vector<256x16xf32>
    %dot_general3A_40 = tpu.matmul %get3A_17, %get3A_38, %dot_general3A_39 {dimension_numbers = #tpu.dot_dimension_numbers<[1], [0], [0], [1], [0, 0, 1, 1], [], []>, precision = #tpu.contract_precision<fp32>, transpose_lhs_hint = false} : vector<256x3xf32>, vector<3x16xf32>, vector<256x16xf32> -> vector<256x16xf32>
    %get3A_41 = arith.constant 3 : index
    %get3A_42 = arith.constant 0 : index
    %get3A_43 = vector.load %arg7[%get3A_41, %get3A_42] : memref<19x16xf32, #tpu.memory_space<vmem>>, vector<16x16xf32>
    %dot_general3A_44 = arith.constant dense<0.000000e+00> : vector<256x16xf32>
    %dot_general3A_45 = tpu.matmul %get3A_20, %get3A_43, %dot_general3A_44 {dimension_numbers = #tpu.dot_dimension_numbers<[1], [0], [0], [1], [0, 0, 1, 1], [], []>, precision = #tpu.contract_precision<fp32>, transpose_lhs_hint = false} : vector<256x16xf32>, vector<16x16xf32>, vector<256x16xf32> -> vector<256x16xf32>
    %add3A_46 = arith.addf %dot_general3A_40, %dot_general3A_45 : vector<256x16xf32>
    %get3A_47 = arith.constant 0 : index
    %get3A_48 = arith.constant 0 : index
    %get3A_49 = vector.load %arg8[%get3A_47, %get3A_48] : memref<1x16xf32, #tpu.memory_space<vmem>>, vector<1x16xf32>
    %get3A_50 = vector.shape_cast %get3A_49 : vector<1x16xf32> to vector<16xf32>
    %broadcast_in_dim3A_51 = vector.shape_cast %get3A_50 : vector<16xf32> to vector<1x16xf32>
    %add3A_52 = vector.broadcast %broadcast_in_dim3A_51 : vector<1x16xf32> to vector<256x16xf32>
    %add3A_53 = arith.addf %add3A_46, %add3A_52 : vector<256x16xf32>
    %broadcast_in_dim3A_54 = arith.constant 0.000000e+00 : f32
    %broadcast_in_dim3A_55 = vector.broadcast %broadcast_in_dim3A_54 : f32 to vector<256x96xf32>
    %concatenate3A = tpu.concatenate %add3A_35, %add3A_53, %broadcast_in_dim3A_55 in 1 : vector<256x16xf32>, vector<256x16xf32>, vector<256x96xf32> -> vector<256x128xf32>
    %swap3A = arith.constant 0 : index
    %swap3A_56 = arith.constant 0 : index
    %swap3A_57 = vector.load %arg12[%swap3A, %swap3A_56] : memref<256x128xf32, #tpu.memory_space<vmem>>, vector<256x128xf32>
    tpu.vector_store %arg12[%swap3A, %swap3A_56], %concatenate3A {strides = array<i32>} : memref<256x128xf32, #tpu.memory_space<vmem>>, vector<256x128xf32>,
    %get3A_58 = arith.constant 0 : index
    %get3A_59 = arith.constant 0 : index
    %get3A_60 = vector.load %arg1[%get3A_58, %get3A_59] : memref<128x4xi32, #tpu.memory_space<vmem>>, vector<128x4xi32>
    %convert_element_type3A = arith.sitofp %get3A_60 : vector<128x4xi32> to vector<128x4xf32>
    %slice3A = vector.extract_strided_slice %convert_element_type3A {offsets = [0, 3], sizes = [128, 1], strides = [1, 1]} : vector<128x4xf32> to vector<128x1xf32>
    %squeeze3A = vector.shape_cast %slice3A : vector<128x1xf32> to vector<128xf32>
    %add3A_61 = arith.constant 5.000000e-01 : f32
    %add3A_62 = vector.broadcast %add3A_61 : f32 to vector<128xf32>
    %add3A_63 = arith.addf %squeeze3A, %add3A_62 : vector<128xf32>
    %mul3A = arith.constant 1.000000e-01 : f32
    %mul3A_64 = vector.broadcast %mul3A : f32 to vector<128xf32>
    %mul3A_65 = arith.mulf %add3A_63, %mul3A_64 : vector<128xf32>
    %add3A_66 = arith.constant 0.000000e+00 : f32
    %add3A_67 = vector.broadcast %add3A_66 : f32 to vector<128xf32>
    %add3A_68 = arith.addf %mul3A_65, %add3A_67 : vector<128xf32>
    %slice3A_69 = vector.extract_strided_slice %convert_element_type3A {offsets = [0, 2], sizes = [128, 1], strides = [1, 1]} : vector<128x4xf32> to vector<128x1xf32>
    %squeeze3A_70 = vector.shape_cast %slice3A_69 : vector<128x1xf32> to vector<128xf32>
    %add3A_71 = arith.constant 5.000000e-01 : f32
    %add3A_72 = vector.broadcast %add3A_71 : f32 to vector<128xf32>
    %add3A_73 = arith.addf %squeeze3A_70, %add3A_72 : vector<128xf32>
    %mul3A_74 = arith.constant 1.000000e-01 : f32
    %mul3A_75 = vector.broadcast %mul3A_74 : f32 to vector<128xf32>
    %mul3A_76 = arith.mulf %add3A_73, %mul3A_75 : vector<128xf32>
    %add3A_77 = arith.constant -4.000000e+01 : f32
    %add3A_78 = vector.broadcast %add3A_77 : f32 to vector<128xf32>
    %add3A_79 = arith.addf %mul3A_76, %add3A_78 : vector<128xf32>
    %slice3A_80 = vector.extract_strided_slice %convert_element_type3A {offsets = [0, 1], sizes = [128, 1], strides = [1, 1]} : vector<128x4xf32> to vector<128x1xf32>
    %squeeze3A_81 = vector.shape_cast %slice3A_80 : vector<128x1xf32> to vector<128xf32>
    %add3A_82 = arith.constant 5.000000e-01 : f32
    %add3A_83 = vector.broadcast %add3A_82 : f32 to vector<128xf32>
    %add3A_84 = arith.addf %squeeze3A_81, %add3A_83 : vector<128xf32>
    %mul3A_85 = arith.constant 2.000000e-01 : f32
    %mul3A_86 = vector.broadcast %mul3A_85 : f32 to vector<128xf32>
    %mul3A_87 = arith.mulf %add3A_84, %mul3A_86 : vector<128xf32>
    %add3A_88 = arith.constant -3.000000e+00 : f32
    %add3A_89 = vector.broadcast %add3A_88 : f32 to vector<128xf32>
    %add3A_90 = arith.addf %mul3A_87, %add3A_89 : vector<128xf32>
    %stack3A = vector.shape_cast %add3A_68 : vector<128xf32> to vector<128x1xf32>
    %stack3A_91 = vector.shape_cast %add3A_79 : vector<128xf32> to vector<128x1xf32>
    %stack3A_92 = vector.shape_cast %add3A_90 : vector<128xf32> to vector<128x1xf32>
    %stack3A_93 = tpu.concatenate %stack3A, %stack3A_91, %stack3A_92 in 1 : vector<128x1xf32>, vector<128x1xf32>, vector<128x1xf32> -> vector<128x3xf32>
    %get3A_94 = arith.constant 0 : index
    %get3A_95 = arith.constant 1 : index
    %get3A_96 = vector.load %arg2[%get3A_94, %get3A_95] : memref<4096x4xf32, #tpu.memory_space<vmem>>, vector<4096x1xf32>
    %get3A_97 = vector.shape_cast %get3A_96 : vector<4096x1xf32> to vector<4096xf32>
    %get3A_98 = arith.constant 0 : index
    %get3A_99 = arith.constant 2 : index
    %get3A_100 = vector.load %arg2[%get3A_98, %get3A_99] : memref<4096x4xf32, #tpu.memory_space<vmem>>, vector<4096x1xf32>
    %get3A_101 = vector.shape_cast %get3A_100 : vector<4096x1xf32> to vector<4096xf32>
    %get3A_102 = arith.constant 0 : index
    %get3A_103 = arith.constant 3 : index
    %get3A_104 = vector.load %arg2[%get3A_102, %get3A_103] : memref<4096x4xf32, #tpu.memory_space<vmem>>, vector<4096x1xf32>
    %get3A_105 = vector.shape_cast %get3A_104 : vector<4096x1xf32> to vector<4096xf32>
    %slice3A_106 = vector.extract_strided_slice %stack3A_93 {offsets = [0, 0], sizes = [128, 1], strides = [1, 1]} : vector<128x3xf32> to vector<128x1xf32>
    %squeeze3A_107 = vector.shape_cast %slice3A_106 : vector<128x1xf32> to vector<128xf32>
    %broadcast_in_dim3A_108 = vector.shape_cast %squeeze3A_107 : vector<128xf32> to vector<128x1xf32>
    %broadcast_in_dim3A_109 = vector.shape_cast %get3A_97 : vector<4096xf32> to vector<1x4096xf32>
    %sub3A_110 = vector.broadcast %broadcast_in_dim3A_108 : vector<128x1xf32> to vector<128x4096xf32>
    %sub3A_111 = vector.broadcast %broadcast_in_dim3A_109 : vector<1x4096xf32> to vector<128x4096xf32>
    %sub3A_112 = arith.subf %sub3A_110, %sub3A_111 : vector<128x4096xf32>
    %slice3A_113 = vector.extract_strided_slice %stack3A_93 {offsets = [0, 1], sizes = [128, 1], strides = [1, 1]} : vector<128x3xf32> to vector<128x1xf32>
    %squeeze3A_114 = vector.shape_cast %slice3A_113 : vector<128x1xf32> to vector<128xf32>
    %broadcast_in_dim3A_115 = vector.shape_cast %squeeze3A_114 : vector<128xf32> to vector<128x1xf32>
    %broadcast_in_dim3A_116 = vector.shape_cast %get3A_101 : vector<4096xf32> to vector<1x4096xf32>
    %sub3A_117 = vector.broadcast %broadcast_in_dim3A_115 : vector<128x1xf32> to vector<128x4096xf32>
    %sub3A_118 = vector.broadcast %broadcast_in_dim3A_116 : vector<1x4096xf32> to vector<128x4096xf32>
    %sub3A_119 = arith.subf %sub3A_117, %sub3A_118 : vector<128x4096xf32>
    %slice3A_120 = vector.extract_strided_slice %stack3A_93 {offsets = [0, 2], sizes = [128, 1], strides = [1, 1]} : vector<128x3xf32> to vector<128x1xf32>
    %squeeze3A_121 = vector.shape_cast %slice3A_120 : vector<128x1xf32> to vector<128xf32>
    %broadcast_in_dim3A_122 = vector.shape_cast %squeeze3A_121 : vector<128xf32> to vector<128x1xf32>
    %broadcast_in_dim3A_123 = vector.shape_cast %get3A_105 : vector<4096xf32> to vector<1x4096xf32>
    %sub3A_124 = vector.broadcast %broadcast_in_dim3A_122 : vector<128x1xf32> to vector<128x4096xf32>
    %sub3A_125 = vector.broadcast %broadcast_in_dim3A_123 : vector<1x4096xf32> to vector<128x4096xf32>
    %sub3A_126 = arith.subf %sub3A_124, %sub3A_125 : vector<128x4096xf32>
    %mul3A_127 = arith.mulf %sub3A_112, %sub3A_112 : vector<128x4096xf32>
    %mul3A_128 = arith.mulf %sub3A_119, %sub3A_119 : vector<128x4096xf32>
    %add3A_129 = arith.addf %mul3A_127, %mul3A_128 : vector<128x4096xf32>
    %mul3A_130 = arith.mulf %sub3A_126, %sub3A_126 : vector<128x4096xf32>
    %add3A_131 = arith.addf %add3A_129, %mul3A_130 : vector<128x4096xf32>
    %lt3A = arith.constant 1.600000e-01 : f32
    %lt3A_132 = vector.broadcast %lt3A : f32 to vector<128x4096xf32>
    %lt3A_133 = arith.cmpf olt, %add3A_131, %lt3A_132 : vector<128x4096xf32>
    %lt3A_134 = arith.constant 6.400000e-01 : f32
    %lt3A_135 = vector.broadcast %lt3A_134 : f32 to vector<128x4096xf32>
    %lt3A_136 = arith.cmpf olt, %add3A_131, %lt3A_135 : vector<128x4096xf32>
    %convert_element_type3A_137 = arith.extui %lt3A_133 : vector<128x4096xi1> to vector<128x4096xi32>
    %convert_element_type3A_138 = arith.sitofp %convert_element_type3A_137 : vector<128x4096xi32> to vector<128x4096xf32>
    %convert_element_type3A_139 = arith.extui %lt3A_136 : vector<128x4096xi1> to vector<128x4096xi32>
    %convert_element_type3A_140 = arith.sitofp %convert_element_type3A_139 : vector<128x4096xi32> to vector<128x4096xf32>
    %reshape3A = vector.shape_cast %convert_element_type3A_138 : vector<128x4096xf32> to vector<128x32x128xf32>
    %slice3A_141 = vector.extract_strided_slice %reshape3A {offsets = [0, 0, 0], sizes = [128, 32, 127], strides = [1, 1, 1]} : vector<128x32x128xf32> to vector<128x32x127xf32>
    %jit3A_142 = arith.constant 0 : i32
    %convert_element_type3A_143 = arith.sitofp %jit3A_142 : i32 to f32
    %pad3A = vector.broadcast %convert_element_type3A_143 : f32 to vector<128x32x1xf32>
    %pad3A_144 = tpu.concatenate %pad3A, %slice3A_141 in 2 : vector<128x32x1xf32>, vector<128x32x127xf32> -> vector<128x32x128xf32>
    %add3A_145 = arith.addf %reshape3A, %pad3A_144 : vector<128x32x128xf32>
    %slice3A_146 = vector.extract_strided_slice %add3A_145 {offsets = [0, 0, 0], sizes = [128, 32, 126], strides = [1, 1, 1]} : vector<128x32x128xf32> to vector<128x32x126xf32>
    %jit3A_147 = arith.constant 0 : i32
    %convert_element_type3A_148 = arith.sitofp %jit3A_147 : i32 to f32
    %pad3A_149 = vector.broadcast %convert_element_type3A_148 : f32 to vector<128x32x2xf32>
    %pad3A_150 = tpu.concatenate %pad3A_149, %slice3A_146 in 2 : vector<128x32x2xf32>, vector<128x32x126xf32> -> vector<128x32x128xf32>
    %add3A_151 = arith.addf %add3A_145, %pad3A_150 : vector<128x32x128xf32>
    %slice3A_152 = vector.extract_strided_slice %add3A_151 {offsets = [0, 0, 0], sizes = [128, 32, 124], strides = [1, 1, 1]} : vector<128x32x128xf32> to vector<128x32x124xf32>
    %jit3A_153 = arith.constant 0 : i32
    %convert_element_type3A_154 = arith.sitofp %jit3A_153 : i32 to f32
    %pad3A_155 = vector.broadcast %convert_element_type3A_154 : f32 to vector<128x32x4xf32>
    %pad3A_156 = tpu.concatenate %pad3A_155, %slice3A_152 in 2 : vector<128x32x4xf32>, vector<128x32x124xf32> -> vector<128x32x128xf32>
    %add3A_157 = arith.addf %add3A_151, %pad3A_156 : vector<128x32x128xf32>
    %slice3A_158 = vector.extract_strided_slice %add3A_157 {offsets = [0, 0, 0], sizes = [128, 32, 120], strides = [1, 1, 1]} : vector<128x32x128xf32> to vector<128x32x120xf32>
    %jit3A_159 = arith.constant 0 : i32
    %convert_element_type3A_160 = arith.sitofp %jit3A_159 : i32 to f32
    %pad3A_161 = vector.broadcast %convert_element_type3A_160 : f32 to vector<128x32x8xf32>
    %pad3A_162 = tpu.concatenate %pad3A_161, %slice3A_158 in 2 : vector<128x32x8xf32>, vector<128x32x120xf32> -> vector<128x32x128xf32>
    %add3A_163 = arith.addf %add3A_157, %pad3A_162 : vector<128x32x128xf32>
    %slice3A_164 = vector.extract_strided_slice %add3A_163 {offsets = [0, 0, 0], sizes = [128, 32, 112], strides = [1, 1, 1]} : vector<128x32x128xf32> to vector<128x32x112xf32>
    %jit3A_165 = arith.constant 0 : i32
    %convert_element_type3A_166 = arith.sitofp %jit3A_165 : i32 to f32
    %pad3A_167 = vector.broadcast %convert_element_type3A_166 : f32 to vector<128x32x16xf32>
    %pad3A_168 = tpu.concatenate %pad3A_167, %slice3A_164 in 2 : vector<128x32x16xf32>, vector<128x32x112xf32> -> vector<128x32x128xf32>
    %add3A_169 = arith.addf %add3A_163, %pad3A_168 : vector<128x32x128xf32>
    %slice3A_170 = vector.extract_strided_slice %add3A_169 {offsets = [0, 0, 0], sizes = [128, 32, 96], strides = [1, 1, 1]} : vector<128x32x128xf32> to vector<128x32x96xf32>
    %jit3A_171 = arith.constant 0 : i32
    %convert_element_type3A_172 = arith.sitofp %jit3A_171 : i32 to f32
    %pad3A_173 = vector.broadcast %convert_element_type3A_172 : f32 to vector<128x32x32xf32>
    %pad3A_174 = tpu.concatenate %pad3A_173, %slice3A_170 in 2 : vector<128x32x32xf32>, vector<128x32x96xf32> -> vector<128x32x128xf32>
    %add3A_175 = arith.addf %add3A_169, %pad3A_174 : vector<128x32x128xf32>
    %slice3A_176 = vector.extract_strided_slice %add3A_175 {offsets = [0, 0, 0], sizes = [128, 32, 64], strides = [1, 1, 1]} : vector<128x32x128xf32> to vector<128x32x64xf32>
    %jit3A_177 = arith.constant 0 : i32
    %convert_element_type3A_178 = arith.sitofp %jit3A_177 : i32 to f32
    %pad3A_179 = vector.broadcast %convert_element_type3A_178 : f32 to vector<128x32x64xf32>
    %pad3A_180 = tpu.concatenate %pad3A_179, %slice3A_176 in 2 : vector<128x32x64xf32>, vector<128x32x64xf32> -> vector<128x32x128xf32>
    %add3A_181 = arith.addf %add3A_175, %pad3A_180 : vector<128x32x128xf32>
    %slice3A_182 = vector.extract_strided_slice %add3A_181 {offsets = [0, 0, 127], sizes = [128, 32, 1], strides = [1, 1, 1]} : vector<128x32x128xf32> to vector<128x32x1xf32>
    %squeeze3A_183 = vector.shape_cast %slice3A_182 : vector<128x32x1xf32> to vector<128x32xf32>
    %slice3A_184 = vector.extract_strided_slice %squeeze3A_183 {offsets = [0, 0], sizes = [128, 31], strides = [1, 1]} : vector<128x32xf32> to vector<128x31xf32>
    %jit3A_185 = arith.constant 0 : i32
    %convert_element_type3A_186 = arith.sitofp %jit3A_185 : i32 to f32
    %pad3A_187 = vector.broadcast %convert_element_type3A_186 : f32 to vector<128x1xf32>
    %pad3A_188 = tpu.concatenate %pad3A_187, %slice3A_184 in 1 : vector<128x1xf32>, vector<128x31xf32> -> vector<128x32xf32>
    %add3A_189 = arith.addf %squeeze3A_183, %pad3A_188 : vector<128x32xf32>
    %slice3A_190 = vector.extract_strided_slice %add3A_189 {offsets = [0, 0], sizes = [128, 30], strides = [1, 1]} : vector<128x32xf32> to vector<128x30xf32>
    %jit3A_191 = arith.constant 0 : i32
    %convert_element_type3A_192 = arith.sitofp %jit3A_191 : i32 to f32
    %pad3A_193 = vector.broadcast %convert_element_type3A_192 : f32 to vector<128x2xf32>
    %pad3A_194 = tpu.concatenate %pad3A_193, %slice3A_190 in 1 : vector<128x2xf32>, vector<128x30xf32> -> vector<128x32xf32>
    %add3A_195 = arith.addf %add3A_189, %pad3A_194 : vector<128x32xf32>
    %slice3A_196 = vector.extract_strided_slice %add3A_195 {offsets = [0, 0], sizes = [128, 28], strides = [1, 1]} : vector<128x32xf32> to vector<128x28xf32>
    %jit3A_197 = arith.constant 0 : i32
    %convert_element_type3A_198 = arith.sitofp %jit3A_197 : i32 to f32
    %pad3A_199 = vector.broadcast %convert_element_type3A_198 : f32 to vector<128x4xf32>
    %pad3A_200 = tpu.concatenate %pad3A_199, %slice3A_196 in 1 : vector<128x4xf32>, vector<128x28xf32> -> vector<128x32xf32>
    %add3A_201 = arith.addf %add3A_195, %pad3A_200 : vector<128x32xf32>
    %slice3A_202 = vector.extract_strided_slice %add3A_201 {offsets = [0, 0], sizes = [128, 24], strides = [1, 1]} : vector<128x32xf32> to vector<128x24xf32>
    %jit3A_203 = arith.constant 0 : i32
    %convert_element_type3A_204 = arith.sitofp %jit3A_203 : i32 to f32
    %pad3A_205 = vector.broadcast %convert_element_type3A_204 : f32 to vector<128x8xf32>
    %pad3A_206 = tpu.concatenate %pad3A_205, %slice3A_202 in 1 : vector<128x8xf32>, vector<128x24xf32> -> vector<128x32xf32>
    %add3A_207 = arith.addf %add3A_201, %pad3A_206 : vector<128x32xf32>
    %slice3A_208 = vector.extract_strided_slice %add3A_207 {offsets = [0, 0], sizes = [128, 16], strides = [1, 1]} : vector<128x32xf32> to vector<128x16xf32>
    %jit3A_209 = arith.constant 0 : i32
    %convert_element_type3A_210 = arith.sitofp %jit3A_209 : i32 to f32
    %pad3A_211 = vector.broadcast %convert_element_type3A_210 : f32 to vector<128x16xf32>
    %pad3A_212 = tpu.concatenate %pad3A_211, %slice3A_208 in 1 : vector<128x16xf32>, vector<128x16xf32> -> vector<128x32xf32>
    %add3A_213 = arith.addf %add3A_207, %pad3A_212 : vector<128x32xf32>
    %sub3A_214 = arith.subf %add3A_213, %squeeze3A_183 : vector<128x32xf32>
    %broadcast_in_dim3A_215 = vector.shape_cast %sub3A_214 : vector<128x32xf32> to vector<128x32x1xf32>
    %broadcast_in_dim3A_216 = vector.broadcast %broadcast_in_dim3A_215 : vector<128x32x1xf32> to vector<128x32x128xf32>
    %add3A_217 = arith.addf %add3A_181, %broadcast_in_dim3A_216 : vector<128x32x128xf32>
    %reshape3A_218 = vector.shape_cast %add3A_217 : vector<128x32x128xf32> to vector<128x4096xf32>
    %reshape3A_219 = vector.shape_cast %convert_element_type3A_140 : vector<128x4096xf32> to vector<128x32x128xf32>
    %slice3A_220 = vector.extract_strided_slice %reshape3A_219 {offsets = [0, 0, 0], sizes = [128, 32, 127], strides = [1, 1, 1]} : vector<128x32x128xf32> to vector<128x32x127xf32>
    %jit3A_221 = arith.constant 0 : i32
    %convert_element_type3A_222 = arith.sitofp %jit3A_221 : i32 to f32
    %pad3A_223 = vector.broadcast %convert_element_type3A_222 : f32 to vector<128x32x1xf32>
    %pad3A_224 = tpu.concatenate %pad3A_223, %slice3A_220 in 2 : vector<128x32x1xf32>, vector<128x32x127xf32> -> vector<128x32x128xf32>
    %add3A_225 = arith.addf %reshape3A_219, %pad3A_224 : vector<128x32x128xf32>
    %slice3A_226 = vector.extract_strided_slice %add3A_225 {offsets = [0, 0, 0], sizes = [128, 32, 126], strides = [1, 1, 1]} : vector<128x32x128xf32> to vector<128x32x126xf32>
    %jit3A_227 = arith.constant 0 : i32
    %convert_element_type3A_228 = arith.sitofp %jit3A_227 : i32 to f32
    %pad3A_229 = vector.broadcast %convert_element_type3A_228 : f32 to vector<128x32x2xf32>
    %pad3A_230 = tpu.concatenate %pad3A_229, %slice3A_226 in 2 : vector<128x32x2xf32>, vector<128x32x126xf32> -> vector<128x32x128xf32>
    %add3A_231 = arith.addf %add3A_225, %pad3A_230 : vector<128x32x128xf32>
    %slice3A_232 = vector.extract_strided_slice %add3A_231 {offsets = [0, 0, 0], sizes = [128, 32, 124], strides = [1, 1, 1]} : vector<128x32x128xf32> to vector<128x32x124xf32>
    %jit3A_233 = arith.constant 0 : i32
    %convert_element_type3A_234 = arith.sitofp %jit3A_233 : i32 to f32
    %pad3A_235 = vector.broadcast %convert_element_type3A_234 : f32 to vector<128x32x4xf32>
    %pad3A_236 = tpu.concatenate %pad3A_235, %slice3A_232 in 2 : vector<128x32x4xf32>, vector<128x32x124xf32> -> vector<128x32x128xf32>
    %add3A_237 = arith.addf %add3A_231, %pad3A_236 : vector<128x32x128xf32>
    %slice3A_238 = vector.extract_strided_slice %add3A_237 {offsets = [0, 0, 0], sizes = [128, 32, 120], strides = [1, 1, 1]} : vector<128x32x128xf32> to vector<128x32x120xf32>
    %jit3A_239 = arith.constant 0 : i32
    %convert_element_type3A_240 = arith.sitofp %jit3A_239 : i32 to f32
    %pad3A_241 = vector.broadcast %convert_element_type3A_240 : f32 to vector<128x32x8xf32>
    %pad3A_242 = tpu.concatenate %pad3A_241, %slice3A_238 in 2 : vector<128x32x8xf32>, vector<128x32x120xf32> -> vector<128x32x128xf32>
    %add3A_243 = arith.addf %add3A_237, %pad3A_242 : vector<128x32x128xf32>
    %slice3A_244 = vector.extract_strided_slice %add3A_243 {offsets = [0, 0, 0], sizes = [128, 32, 112], strides = [1, 1, 1]} : vector<128x32x128xf32> to vector<128x32x112xf32>
    %jit3A_245 = arith.constant 0 : i32
    %convert_element_type3A_246 = arith.sitofp %jit3A_245 : i32 to f32
    %pad3A_247 = vector.broadcast %convert_element_type3A_246 : f32 to vector<128x32x16xf32>
    %pad3A_248 = tpu.concatenate %pad3A_247, %slice3A_244 in 2 : vector<128x32x16xf32>, vector<128x32x112xf32> -> vector<128x32x128xf32>
    %add3A_249 = arith.addf %add3A_243, %pad3A_248 : vector<128x32x128xf32>
    %slice3A_250 = vector.extract_strided_slice %add3A_249 {offsets = [0, 0, 0], sizes = [128, 32, 96], strides = [1, 1, 1]} : vector<128x32x128xf32> to vector<128x32x96xf32>
    %jit3A_251 = arith.constant 0 : i32
    %convert_element_type3A_252 = arith.sitofp %jit3A_251 : i32 to f32
    %pad3A_253 = vector.broadcast %convert_element_type3A_252 : f32 to vector<128x32x32xf32>
    %pad3A_254 = tpu.concatenate %pad3A_253, %slice3A_250 in 2 : vector<128x32x32xf32>, vector<128x32x96xf32> -> vector<128x32x128xf32>
    %add3A_255 = arith.addf %add3A_249, %pad3A_254 : vector<128x32x128xf32>
    %slice3A_256 = vector.extract_strided_slice %add3A_255 {offsets = [0, 0, 0], sizes = [128, 32, 64], strides = [1, 1, 1]} : vector<128x32x128xf32> to vector<128x32x64xf32>
    %jit3A_257 = arith.constant 0 : i32
    %convert_element_type3A_258 = arith.sitofp %jit3A_257 : i32 to f32
    %pad3A_259 = vector.broadcast %convert_element_type3A_258 : f32 to vector<128x32x64xf32>
    %pad3A_260 = tpu.concatenate %pad3A_259, %slice3A_256 in 2 : vector<128x32x64xf32>, vector<128x32x64xf32> -> vector<128x32x128xf32>
    %add3A_261 = arith.addf %add3A_255, %pad3A_260 : vector<128x32x128xf32>
    %slice3A_262 = vector.extract_strided_slice %add3A_261 {offsets = [0, 0, 127], sizes = [128, 32, 1], strides = [1, 1, 1]} : vector<128x32x128xf32> to vector<128x32x1xf32>
    %squeeze3A_263 = vector.shape_cast %slice3A_262 : vector<128x32x1xf32> to vector<128x32xf32>
    %slice3A_264 = vector.extract_strided_slice %squeeze3A_263 {offsets = [0, 0], sizes = [128, 31], strides = [1, 1]} : vector<128x32xf32> to vector<128x31xf32>
    %jit3A_265 = arith.constant 0 : i32
    %convert_element_type3A_266 = arith.sitofp %jit3A_265 : i32 to f32
    %pad3A_267 = vector.broadcast %convert_element_type3A_266 : f32 to vector<128x1xf32>
    %pad3A_268 = tpu.concatenate %pad3A_267, %slice3A_264 in 1 : vector<128x1xf32>, vector<128x31xf32> -> vector<128x32xf32>
    %add3A_269 = arith.addf %squeeze3A_263, %pad3A_268 : vector<128x32xf32>
    %slice3A_270 = vector.extract_strided_slice %add3A_269 {offsets = [0, 0], sizes = [128, 30], strides = [1, 1]} : vector<128x32xf32> to vector<128x30xf32>
    %jit3A_271 = arith.constant 0 : i32
    %convert_element_type3A_272 = arith.sitofp %jit3A_271 : i32 to f32
    %pad3A_273 = vector.broadcast %convert_element_type3A_272 : f32 to vector<128x2xf32>
    %pad3A_274 = tpu.concatenate %pad3A_273, %slice3A_270 in 1 : vector<128x2xf32>, vector<128x30xf32> -> vector<128x32xf32>
    %add3A_275 = arith.addf %add3A_269, %pad3A_274 : vector<128x32xf32>
    %slice3A_276 = vector.extract_strided_slice %add3A_275 {offsets = [0, 0], sizes = [128, 28], strides = [1, 1]} : vector<128x32xf32> to vector<128x28xf32>
    %jit3A_277 = arith.constant 0 : i32
    %convert_element_type3A_278 = arith.sitofp %jit3A_277 : i32 to f32
    %pad3A_279 = vector.broadcast %convert_element_type3A_278 : f32 to vector<128x4xf32>
    %pad3A_280 = tpu.concatenate %pad3A_279, %slice3A_276 in 1 : vector<128x4xf32>, vector<128x28xf32> -> vector<128x32xf32>
    %add3A_281 = arith.addf %add3A_275, %pad3A_280 : vector<128x32xf32>
    %slice3A_282 = vector.extract_strided_slice %add3A_281 {offsets = [0, 0], sizes = [128, 24], strides = [1, 1]} : vector<128x32xf32> to vector<128x24xf32>
    %jit3A_283 = arith.constant 0 : i32
    %convert_element_type3A_284 = arith.sitofp %jit3A_283 : i32 to f32
    %pad3A_285 = vector.broadcast %convert_element_type3A_284 : f32 to vector<128x8xf32>
    %pad3A_286 = tpu.concatenate %pad3A_285, %slice3A_282 in 1 : vector<128x8xf32>, vector<128x24xf32> -> vector<128x32xf32>
    %add3A_287 = arith.addf %add3A_281, %pad3A_286 : vector<128x32xf32>
    %slice3A_288 = vector.extract_strided_slice %add3A_287 {offsets = [0, 0], sizes = [128, 16], strides = [1, 1]} : vector<128x32xf32> to vector<128x16xf32>
    %jit3A_289 = arith.constant 0 : i32
    %convert_element_type3A_290 = arith.sitofp %jit3A_289 : i32 to f32
    %pad3A_291 = vector.broadcast %convert_element_type3A_290 : f32 to vector<128x16xf32>
    %pad3A_292 = tpu.concatenate %pad3A_291, %slice3A_288 in 1 : vector<128x16xf32>, vector<128x16xf32> -> vector<128x32xf32>
    %add3A_293 = arith.addf %add3A_287, %pad3A_292 : vector<128x32xf32>
    %sub3A_294 = arith.subf %add3A_293, %squeeze3A_263 : vector<128x32xf32>
    %broadcast_in_dim3A_295 = vector.shape_cast %sub3A_294 : vector<128x32xf32> to vector<128x32x1xf32>
    %broadcast_in_dim3A_296 = vector.broadcast %broadcast_in_dim3A_295 : vector<128x32x1xf32> to vector<128x32x128xf32>
    %add3A_297 = arith.addf %add3A_261, %broadcast_in_dim3A_296 : vector<128x32x128xf32>
    %reshape3A_298 = vector.shape_cast %add3A_297 : vector<128x32x128xf32> to vector<128x4096xf32>
    %le3A = arith.constant 1.600000e+01 : f32
    %le3A_299 = vector.broadcast %le3A : f32 to vector<128x4096xf32>
    %le3A_300 = arith.cmpf ole, %reshape3A_218, %le3A_299 : vector<128x4096xf32>
    %and3A_301 = arith.andi %lt3A_133, %le3A_300 : vector<128x4096xi1>
    %jit3A_302 = arith.constant 0.000000e+00 : f32
    %broadcast_in_dim3A_303 = vector.broadcast %jit3A_302 : f32 to vector<128x4096xf32>
    %select_n3A_304 = arith.select %and3A_301, %reshape3A_218, %broadcast_in_dim3A_303 : vector<128x4096xi1>, vector<128x4096xf32>
    %le3A_305 = arith.constant 3.200000e+01 : f32
    %le3A_306 = vector.broadcast %le3A_305 : f32 to vector<128x4096xf32>
    %le3A_307 = arith.cmpf ole, %reshape3A_298, %le3A_306 : vector<128x4096xf32>
    %and3A_308 = arith.andi %lt3A_136, %le3A_307 : vector<128x4096xi1>
    %jit3A_309 = arith.constant 0.000000e+00 : f32
    %broadcast_in_dim3A_310 = vector.broadcast %jit3A_309 : f32 to vector<128x4096xf32>
    %select_n3A_311 = arith.select %and3A_308, %reshape3A_298, %broadcast_in_dim3A_310 : vector<128x4096xi1>, vector<128x4096xf32>
    %slice3A_312 = vector.extract_strided_slice %reshape3A_218 {offsets = [0, 4095], sizes = [128, 1], strides = [1, 1]} : vector<128x4096xf32> to vector<128x1xf32>
    %squeeze3A_313 = vector.shape_cast %slice3A_312 : vector<128x1xf32> to vector<128xf32>
    %slice3A_314 = vector.extract_strided_slice %reshape3A_298 {offsets = [0, 4095], sizes = [128, 1], strides = [1, 1]} : vector<128x4096xf32> to vector<128x1xf32>
    %squeeze3A_315 = vector.shape_cast %slice3A_314 : vector<128x1xf32> to vector<128xf32>
    %stack3A_316 = vector.shape_cast %squeeze3A_313 : vector<128xf32> to vector<128x1xf32>
    %stack3A_317 = vector.shape_cast %squeeze3A_315 : vector<128xf32> to vector<128x1xf32>
    %stack3A_318 = vector.shape_cast %squeeze3A_313 : vector<128xf32> to vector<128x1xf32>
    %stack3A_319 = vector.shape_cast %squeeze3A_315 : vector<128xf32> to vector<128x1xf32>
    %stack3A_320 = vector.shape_cast %squeeze3A_313 : vector<128xf32> to vector<128x1xf32>
    %stack3A_321 = vector.shape_cast %squeeze3A_315 : vector<128xf32> to vector<128x1xf32>
    %stack3A_322 = vector.shape_cast %squeeze3A_313 : vector<128xf32> to vector<128x1xf32>
    %stack3A_323 = vector.shape_cast %squeeze3A_315 : vector<128xf32> to vector<128x1xf32>
    %stack3A_324 = tpu.concatenate %stack3A_316, %stack3A_317, %stack3A_318, %stack3A_319, %stack3A_320, %stack3A_321, %stack3A_322, %stack3A_323 in 1 : vector<128x1xf32>, vector<128x1xf32>, vector<128x1xf32>, vector<128x1xf32>, vector<128x1xf32>, vector<128x1xf32>, vector<128x1xf32>, vector<128x1xf32> -> vector<128x8xf32>
    %convert_element_type3A_325 = arith.fptosi %stack3A_324 : vector<128x8xf32> to vector<128x8xi32>
    %swap3A_326 = arith.constant 0 : index
    %swap3A_327 = arith.constant 0 : index
    %swap3A_328 = vector.load %arg11[%swap3A_326, %swap3A_327] : memref<128x8xi32, #tpu.memory_space<vmem>>, vector<128x8xi32>
    tpu.vector_store %arg11[%swap3A_326, %swap3A_327], %convert_element_type3A_325 {strides = array<i32>} : memref<128x8xi32, #tpu.memory_space<vmem>>, vector<128x8xi32>,
    %reduce_max3A = vector.shape_cast %squeeze3A_313 : vector<128xf32> to vector<1x128xf32>
    %reduce_max3A_329 = arith.constant dense<0xFF800000> : vector<1xf32>
    %reduce_max3A_330 = vector.multi_reduction <maximumf>, %reduce_max3A, %reduce_max3A_329 [1] : vector<1x128xf32> to vector<1xf32>
    %reduce_max3A_331 = vector.shape_cast %reduce_max3A_330 : vector<1xf32> to vector<1x1xf32>
    %reduce_max3A_332 = vector.extract %reduce_max3A_331[0, 0] : f32 from vector<1x1xf32>
    %reduce_max3A_333 = vector.shape_cast %squeeze3A_315 : vector<128xf32> to vector<1x128xf32>
    %reduce_max3A_334 = arith.constant dense<0xFF800000> : vector<1xf32>
    %reduce_max3A_335 = vector.multi_reduction <maximumf>, %reduce_max3A_333, %reduce_max3A_334 [1] : vector<1x128xf32> to vector<1xf32>
    %reduce_max3A_336 = vector.shape_cast %reduce_max3A_335 : vector<1xf32> to vector<1x1xf32>
    %reduce_max3A_337 = vector.extract %reduce_max3A_336[0, 0] : f32 from vector<1x1xf32>
    %mul3A_338 = arith.constant 4096 : i32
    %mul3A_339 = arith.muli %select_n3A, %mul3A_338 : i32
    %convert_element_type3A_340 = arith.sitofp %mul3A_339 : i32 to f32
    %iota3A = tpu.iota {dimensions = array<i32: 1>} : vector<128x4096xi32>
    %convert_element_type3A_341 = arith.sitofp %iota3A : vector<128x4096xi32> to vector<128x4096xf32>
    %add3A_342 = vector.broadcast %convert_element_type3A_340 : f32 to vector<128x4096xf32>
    %add3A_343 = arith.addf %convert_element_type3A_341, %add3A_342 : vector<128x4096xf32>
    %broadcast_in_dim3A_344 = arith.constant 0 : i32
    %broadcast_in_dim3A_345 = vector.broadcast %broadcast_in_dim3A_344 : i32 to vector<128x16xi32>
    %swap3A_346 = arith.constant 0 : index
    %swap3A_347 = arith.constant 0 : index
    %swap3A_348 = vector.load %arg9[%swap3A_346, %swap3A_347] : memref<128x16xi32, #tpu.memory_space<vmem>>, vector<128x16xi32>
    tpu.vector_store %arg9[%swap3A_346, %swap3A_347], %broadcast_in_dim3A_345 {strides = array<i32>} : memref<128x16xi32, #tpu.memory_space<vmem>>, vector<128x16xi32>,
    %broadcast_in_dim3A_349 = arith.constant 0 : i32
    %broadcast_in_dim3A_350 = vector.broadcast %broadcast_in_dim3A_349 : i32 to vector<128x32xi32>
    %swap3A_351 = arith.constant 0 : index
    %swap3A_352 = arith.constant 0 : index
    %swap3A_353 = vector.load %arg10[%swap3A_351, %swap3A_352] : memref<128x32xi32, #tpu.memory_space<vmem>>, vector<128x32xi32>
    tpu.vector_store %arg10[%swap3A_351, %swap3A_352], %broadcast_in_dim3A_350 {strides = array<i32>} : memref<128x32xi32, #tpu.memory_space<vmem>>, vector<128x32xi32>,
    %ge3A = arith.constant 1.000000e+00 : f32
    %ge3A_354 = arith.cmpf oge, %reduce_max3A_332, %ge3A : f32
    %convert_element_type3A_355 = arith.extui %ge3A_354 : i1 to i32
    %cond3A = arith.constant 0 : i32
    %cond3A_356 = arith.cmpi ne, %convert_element_type3A_355, %cond3A : i32
    scf.if %cond3A_356 {
      %eq3A = arith.constant 1.000000e+00 : f32
      %eq3A_592 = vector.broadcast %eq3A : f32 to vector<128x4096xf32>
      %eq3A_593 = arith.cmpf oeq, %select_n3A_304, %eq3A_592 : vector<128x4096xf32>
      %jit3A_594 = arith.constant 0.000000e+00 : f32
      %broadcast_in_dim3A_595 = vector.broadcast %jit3A_594 : f32 to vector<128x4096xf32>
      %select_n3A_596 = arith.select %eq3A_593, %add3A_343, %broadcast_in_dim3A_595 : vector<128x4096xi1>, vector<128x4096xf32>
      %reduce_sum3A = arith.constant dense<0.000000e+00> : vector<128xf32>
      %reduce_sum3A_597 = vector.multi_reduction <add>, %select_n3A_596, %reduce_sum3A [1] : vector<128x4096xf32> to vector<128xf32>
      %convert_element_type3A_598 = arith.fptosi %reduce_sum3A_597 : vector<128xf32> to vector<128xi32>
      %swap3A_599 = arith.constant 0 : index
      %swap3A_600 = arith.constant 0 : index
      %swap3A_601 = vector.load %arg9[%swap3A_599, %swap3A_600] : memref<128x16xi32, #tpu.memory_space<vmem>>, vector<128x1xi32>
      %swap3A_602 = vector.shape_cast %swap3A_601 : vector<128x1xi32> to vector<128xi32>
      %swap3A_603 = vector.shape_cast %convert_element_type3A_598 : vector<128xi32> to vector<128x1xi32>
      tpu.vector_store %arg9[%swap3A_599, %swap3A_600], %swap3A_603 {strides = array<i32>} : memref<128x16xi32, #tpu.memory_space<vmem>>, vector<128x1xi32>,
    } else {
    }
    %ge3A_357 = arith.constant 2.000000e+00 : f32
    %ge3A_358 = arith.cmpf oge, %reduce_max3A_332, %ge3A_357 : f32
    %convert_element_type3A_359 = arith.extui %ge3A_358 : i1 to i32
    %cond3A_360 = arith.constant 0 : i32
    %cond3A_361 = arith.cmpi ne, %convert_element_type3A_359, %cond3A_360 : i32
    scf.if %cond3A_361 {
      %eq3A = arith.constant 2.000000e+00 : f32
      %eq3A_592 = vector.broadcast %eq3A : f32 to vector<128x4096xf32>
      %eq3A_593 = arith.cmpf oeq, %select_n3A_304, %eq3A_592 : vector<128x4096xf32>
      %jit3A_594 = arith.constant 0.000000e+00 : f32
      %broadcast_in_dim3A_595 = vector.broadcast %jit3A_594 : f32 to vector<128x4096xf32>
      %select_n3A_596 = arith.select %eq3A_593, %add3A_343, %broadcast_in_dim3A_595 : vector<128x4096xi1>, vector<128x4096xf32>
      %reduce_sum3A = arith.constant dense<0.000000e+00> : vector<128xf32>
      %reduce_sum3A_597 = vector.multi_reduction <add>, %select_n3A_596, %reduce_sum3A [1] : vector<128x4096xf32> to vector<128xf32>
      %convert_element_type3A_598 = arith.fptosi %reduce_sum3A_597 : vector<128xf32> to vector<128xi32>
      %swap3A_599 = arith.constant 0 : index
      %swap3A_600 = arith.constant 1 : index
      %swap3A_601 = vector.load %arg9[%swap3A_599, %swap3A_600] : memref<128x16xi32, #tpu.memory_space<vmem>>, vector<128x1xi32>
      %swap3A_602 = vector.shape_cast %swap3A_601 : vector<128x1xi32> to vector<128xi32>
      %swap3A_603 = vector.shape_cast %convert_element_type3A_598 : vector<128xi32> to vector<128x1xi32>
      tpu.vector_store %arg9[%swap3A_599, %swap3A_600], %swap3A_603 {strides = array<i32>} : memref<128x16xi32, #tpu.memory_space<vmem>>, vector<128x1xi32>,
    } else {
    }
    %ge3A_362 = arith.constant 3.000000e+00 : f32
    %ge3A_363 = arith.cmpf oge, %reduce_max3A_332, %ge3A_362 : f32
    %convert_element_type3A_364 = arith.extui %ge3A_363 : i1 to i32
    %cond3A_365 = arith.constant 0 : i32
    %cond3A_366 = arith.cmpi ne, %convert_element_type3A_364, %cond3A_365 : i32
    scf.if %cond3A_366 {
      %eq3A = arith.constant 3.000000e+00 : f32
      %eq3A_592 = vector.broadcast %eq3A : f32 to vector<128x4096xf32>
      %eq3A_593 = arith.cmpf oeq, %select_n3A_304, %eq3A_592 : vector<128x4096xf32>
      %jit3A_594 = arith.constant 0.000000e+00 : f32
      %broadcast_in_dim3A_595 = vector.broadcast %jit3A_594 : f32 to vector<128x4096xf32>
      %select_n3A_596 = arith.select %eq3A_593, %add3A_343, %broadcast_in_dim3A_595 : vector<128x4096xi1>, vector<128x4096xf32>
      %reduce_sum3A = arith.constant dense<0.000000e+00> : vector<128xf32>
      %reduce_sum3A_597 = vector.multi_reduction <add>, %select_n3A_596, %reduce_sum3A [1] : vector<128x4096xf32> to vector<128xf32>
      %convert_element_type3A_598 = arith.fptosi %reduce_sum3A_597 : vector<128xf32> to vector<128xi32>
      %swap3A_599 = arith.constant 0 : index
      %swap3A_600 = arith.constant 2 : index
      %swap3A_601 = vector.load %arg9[%swap3A_599, %swap3A_600] : memref<128x16xi32, #tpu.memory_space<vmem>>, vector<128x1xi32>
      %swap3A_602 = vector.shape_cast %swap3A_601 : vector<128x1xi32> to vector<128xi32>
      %swap3A_603 = vector.shape_cast %convert_element_type3A_598 : vector<128xi32> to vector<128x1xi32>
      tpu.vector_store %arg9[%swap3A_599, %swap3A_600], %swap3A_603 {strides = array<i32>} : memref<128x16xi32, #tpu.memory_space<vmem>>, vector<128x1xi32>,
    } else {
    }
    %ge3A_367 = arith.constant 4.000000e+00 : f32
    %ge3A_368 = arith.cmpf oge, %reduce_max3A_332, %ge3A_367 : f32
    %convert_element_type3A_369 = arith.extui %ge3A_368 : i1 to i32
    %cond3A_370 = arith.constant 0 : i32
    %cond3A_371 = arith.cmpi ne, %convert_element_type3A_369, %cond3A_370 : i32
    scf.if %cond3A_371 {
      %eq3A = arith.constant 4.000000e+00 : f32
      %eq3A_592 = vector.broadcast %eq3A : f32 to vector<128x4096xf32>
      %eq3A_593 = arith.cmpf oeq, %select_n3A_304, %eq3A_592 : vector<128x4096xf32>
      %jit3A_594 = arith.constant 0.000000e+00 : f32
      %broadcast_in_dim3A_595 = vector.broadcast %jit3A_594 : f32 to vector<128x4096xf32>
      %select_n3A_596 = arith.select %eq3A_593, %add3A_343, %broadcast_in_dim3A_595 : vector<128x4096xi1>, vector<128x4096xf32>
      %reduce_sum3A = arith.constant dense<0.000000e+00> : vector<128xf32>
      %reduce_sum3A_597 = vector.multi_reduction <add>, %select_n3A_596, %reduce_sum3A [1] : vector<128x4096xf32> to vector<128xf32>
      %convert_element_type3A_598 = arith.fptosi %reduce_sum3A_597 : vector<128xf32> to vector<128xi32>
      %swap3A_599 = arith.constant 0 : index
      %swap3A_600 = arith.constant 3 : index
      %swap3A_601 = vector.load %arg9[%swap3A_599, %swap3A_600] : memref<128x16xi32, #tpu.memory_space<vmem>>, vector<128x1xi32>
      %swap3A_602 = vector.shape_cast %swap3A_601 : vector<128x1xi32> to vector<128xi32>
      %swap3A_603 = vector.shape_cast %convert_element_type3A_598 : vector<128xi32> to vector<128x1xi32>
      tpu.vector_store %arg9[%swap3A_599, %swap3A_600], %swap3A_603 {strides = array<i32>} : memref<128x16xi32, #tpu.memory_space<vmem>>, vector<128x1xi32>,
    } else {
    }
    %ge3A_372 = arith.constant 5.000000e+00 : f32
    %ge3A_373 = arith.cmpf oge, %reduce_max3A_332, %ge3A_372 : f32
    %convert_element_type3A_374 = arith.extui %ge3A_373 : i1 to i32
    %cond3A_375 = arith.constant 0 : i32
    %cond3A_376 = arith.cmpi ne, %convert_element_type3A_374, %cond3A_375 : i32
    scf.if %cond3A_376 {
      %eq3A = arith.constant 5.000000e+00 : f32
      %eq3A_592 = vector.broadcast %eq3A : f32 to vector<128x4096xf32>
      %eq3A_593 = arith.cmpf oeq, %select_n3A_304, %eq3A_592 : vector<128x4096xf32>
      %jit3A_594 = arith.constant 0.000000e+00 : f32
      %broadcast_in_dim3A_595 = vector.broadcast %jit3A_594 : f32 to vector<128x4096xf32>
      %select_n3A_596 = arith.select %eq3A_593, %add3A_343, %broadcast_in_dim3A_595 : vector<128x4096xi1>, vector<128x4096xf32>
      %reduce_sum3A = arith.constant dense<0.000000e+00> : vector<128xf32>
      %reduce_sum3A_597 = vector.multi_reduction <add>, %select_n3A_596, %reduce_sum3A [1] : vector<128x4096xf32> to vector<128xf32>
      %convert_element_type3A_598 = arith.fptosi %reduce_sum3A_597 : vector<128xf32> to vector<128xi32>
      %swap3A_599 = arith.constant 0 : index
      %swap3A_600 = arith.constant 4 : index
      %swap3A_601 = vector.load %arg9[%swap3A_599, %swap3A_600] : memref<128x16xi32, #tpu.memory_space<vmem>>, vector<128x1xi32>
      %swap3A_602 = vector.shape_cast %swap3A_601 : vector<128x1xi32> to vector<128xi32>
      %swap3A_603 = vector.shape_cast %convert_element_type3A_598 : vector<128xi32> to vector<128x1xi32>
      tpu.vector_store %arg9[%swap3A_599, %swap3A_600], %swap3A_603 {strides = array<i32>} : memref<128x16xi32, #tpu.memory_space<vmem>>, vector<128x1xi32>,
    } else {
    }
    %ge3A_377 = arith.constant 6.000000e+00 : f32
    %ge3A_378 = arith.cmpf oge, %reduce_max3A_332, %ge3A_377 : f32
    %convert_element_type3A_379 = arith.extui %ge3A_378 : i1 to i32
    %cond3A_380 = arith.constant 0 : i32
    %cond3A_381 = arith.cmpi ne, %convert_element_type3A_379, %cond3A_380 : i32
    scf.if %cond3A_381 {
      %eq3A = arith.constant 6.000000e+00 : f32
      %eq3A_592 = vector.broadcast %eq3A : f32 to vector<128x4096xf32>
      %eq3A_593 = arith.cmpf oeq, %select_n3A_304, %eq3A_592 : vector<128x4096xf32>
      %jit3A_594 = arith.constant 0.000000e+00 : f32
      %broadcast_in_dim3A_595 = vector.broadcast %jit3A_594 : f32 to vector<128x4096xf32>
      %select_n3A_596 = arith.select %eq3A_593, %add3A_343, %broadcast_in_dim3A_595 : vector<128x4096xi1>, vector<128x4096xf32>
      %reduce_sum3A = arith.constant dense<0.000000e+00> : vector<128xf32>
      %reduce_sum3A_597 = vector.multi_reduction <add>, %select_n3A_596, %reduce_sum3A [1] : vector<128x4096xf32> to vector<128xf32>
      %convert_element_type3A_598 = arith.fptosi %reduce_sum3A_597 : vector<128xf32> to vector<128xi32>
      %swap3A_599 = arith.constant 0 : index
      %swap3A_600 = arith.constant 5 : index
      %swap3A_601 = vector.load %arg9[%swap3A_599, %swap3A_600] : memref<128x16xi32, #tpu.memory_space<vmem>>, vector<128x1xi32>
      %swap3A_602 = vector.shape_cast %swap3A_601 : vector<128x1xi32> to vector<128xi32>
      %swap3A_603 = vector.shape_cast %convert_element_type3A_598 : vector<128xi32> to vector<128x1xi32>
      tpu.vector_store %arg9[%swap3A_599, %swap3A_600], %swap3A_603 {strides = array<i32>} : memref<128x16xi32, #tpu.memory_space<vmem>>, vector<128x1xi32>,
    } else {
    }
    %ge3A_382 = arith.constant 7.000000e+00 : f32
    %ge3A_383 = arith.cmpf oge, %reduce_max3A_332, %ge3A_382 : f32
    %convert_element_type3A_384 = arith.extui %ge3A_383 : i1 to i32
    %cond3A_385 = arith.constant 0 : i32
    %cond3A_386 = arith.cmpi ne, %convert_element_type3A_384, %cond3A_385 : i32
    scf.if %cond3A_386 {
      %eq3A = arith.constant 7.000000e+00 : f32
      %eq3A_592 = vector.broadcast %eq3A : f32 to vector<128x4096xf32>
      %eq3A_593 = arith.cmpf oeq, %select_n3A_304, %eq3A_592 : vector<128x4096xf32>
      %jit3A_594 = arith.constant 0.000000e+00 : f32
      %broadcast_in_dim3A_595 = vector.broadcast %jit3A_594 : f32 to vector<128x4096xf32>
      %select_n3A_596 = arith.select %eq3A_593, %add3A_343, %broadcast_in_dim3A_595 : vector<128x4096xi1>, vector<128x4096xf32>
      %reduce_sum3A = arith.constant dense<0.000000e+00> : vector<128xf32>
      %reduce_sum3A_597 = vector.multi_reduction <add>, %select_n3A_596, %reduce_sum3A [1] : vector<128x4096xf32> to vector<128xf32>
      %convert_element_type3A_598 = arith.fptosi %reduce_sum3A_597 : vector<128xf32> to vector<128xi32>
      %swap3A_599 = arith.constant 0 : index
      %swap3A_600 = arith.constant 6 : index
      %swap3A_601 = vector.load %arg9[%swap3A_599, %swap3A_600] : memref<128x16xi32, #tpu.memory_space<vmem>>, vector<128x1xi32>
      %swap3A_602 = vector.shape_cast %swap3A_601 : vector<128x1xi32> to vector<128xi32>
      %swap3A_603 = vector.shape_cast %convert_element_type3A_598 : vector<128xi32> to vector<128x1xi32>
      tpu.vector_store %arg9[%swap3A_599, %swap3A_600], %swap3A_603 {strides = array<i32>} : memref<128x16xi32, #tpu.memory_space<vmem>>, vector<128x1xi32>,
    } else {
    }
    %ge3A_387 = arith.constant 8.000000e+00 : f32
    %ge3A_388 = arith.cmpf oge, %reduce_max3A_332, %ge3A_387 : f32
    %convert_element_type3A_389 = arith.extui %ge3A_388 : i1 to i32
    %cond3A_390 = arith.constant 0 : i32
    %cond3A_391 = arith.cmpi ne, %convert_element_type3A_389, %cond3A_390 : i32
    scf.if %cond3A_391 {
      %eq3A = arith.constant 8.000000e+00 : f32
      %eq3A_592 = vector.broadcast %eq3A : f32 to vector<128x4096xf32>
      %eq3A_593 = arith.cmpf oeq, %select_n3A_304, %eq3A_592 : vector<128x4096xf32>
      %jit3A_594 = arith.constant 0.000000e+00 : f32
      %broadcast_in_dim3A_595 = vector.broadcast %jit3A_594 : f32 to vector<128x4096xf32>
      %select_n3A_596 = arith.select %eq3A_593, %add3A_343, %broadcast_in_dim3A_595 : vector<128x4096xi1>, vector<128x4096xf32>
      %reduce_sum3A = arith.constant dense<0.000000e+00> : vector<128xf32>
      %reduce_sum3A_597 = vector.multi_reduction <add>, %select_n3A_596, %reduce_sum3A [1] : vector<128x4096xf32> to vector<128xf32>
      %convert_element_type3A_598 = arith.fptosi %reduce_sum3A_597 : vector<128xf32> to vector<128xi32>
      %swap3A_599 = arith.constant 0 : index
      %swap3A_600 = arith.constant 7 : index
      %swap3A_601 = vector.load %arg9[%swap3A_599, %swap3A_600] : memref<128x16xi32, #tpu.memory_space<vmem>>, vector<128x1xi32>
      %swap3A_602 = vector.shape_cast %swap3A_601 : vector<128x1xi32> to vector<128xi32>
      %swap3A_603 = vector.shape_cast %convert_element_type3A_598 : vector<128xi32> to vector<128x1xi32>
      tpu.vector_store %arg9[%swap3A_599, %swap3A_600], %swap3A_603 {strides = array<i32>} : memref<128x16xi32, #tpu.memory_space<vmem>>, vector<128x1xi32>,
    } else {
    }
    %ge3A_392 = arith.constant 9.000000e+00 : f32
    %ge3A_393 = arith.cmpf oge, %reduce_max3A_332, %ge3A_392 : f32
    %convert_element_type3A_394 = arith.extui %ge3A_393 : i1 to i32
    %cond3A_395 = arith.constant 0 : i32
    %cond3A_396 = arith.cmpi ne, %convert_element_type3A_394, %cond3A_395 : i32
    scf.if %cond3A_396 {
      %eq3A = arith.constant 9.000000e+00 : f32
      %eq3A_592 = vector.broadcast %eq3A : f32 to vector<128x4096xf32>
      %eq3A_593 = arith.cmpf oeq, %select_n3A_304, %eq3A_592 : vector<128x4096xf32>
      %jit3A_594 = arith.constant 0.000000e+00 : f32
      %broadcast_in_dim3A_595 = vector.broadcast %jit3A_594 : f32 to vector<128x4096xf32>
      %select_n3A_596 = arith.select %eq3A_593, %add3A_343, %broadcast_in_dim3A_595 : vector<128x4096xi1>, vector<128x4096xf32>
      %reduce_sum3A = arith.constant dense<0.000000e+00> : vector<128xf32>
      %reduce_sum3A_597 = vector.multi_reduction <add>, %select_n3A_596, %reduce_sum3A [1] : vector<128x4096xf32> to vector<128xf32>
      %convert_element_type3A_598 = arith.fptosi %reduce_sum3A_597 : vector<128xf32> to vector<128xi32>
      %swap3A_599 = arith.constant 0 : index
      %swap3A_600 = arith.constant 8 : index
      %swap3A_601 = vector.load %arg9[%swap3A_599, %swap3A_600] : memref<128x16xi32, #tpu.memory_space<vmem>>, vector<128x1xi32>
      %swap3A_602 = vector.shape_cast %swap3A_601 : vector<128x1xi32> to vector<128xi32>
      %swap3A_603 = vector.shape_cast %convert_element_type3A_598 : vector<128xi32> to vector<128x1xi32>
      tpu.vector_store %arg9[%swap3A_599, %swap3A_600], %swap3A_603 {strides = array<i32>} : memref<128x16xi32, #tpu.memory_space<vmem>>, vector<128x1xi32>,
    } else {
    }
    %ge3A_397 = arith.constant 1.000000e+01 : f32
    %ge3A_398 = arith.cmpf oge, %reduce_max3A_332, %ge3A_397 : f32
    %convert_element_type3A_399 = arith.extui %ge3A_398 : i1 to i32
    %cond3A_400 = arith.constant 0 : i32
    %cond3A_401 = arith.cmpi ne, %convert_element_type3A_399, %cond3A_400 : i32
    scf.if %cond3A_401 {
      %eq3A = arith.constant 1.000000e+01 : f32
      %eq3A_592 = vector.broadcast %eq3A : f32 to vector<128x4096xf32>
      %eq3A_593 = arith.cmpf oeq, %select_n3A_304, %eq3A_592 : vector<128x4096xf32>
      %jit3A_594 = arith.constant 0.000000e+00 : f32
      %broadcast_in_dim3A_595 = vector.broadcast %jit3A_594 : f32 to vector<128x4096xf32>
      %select_n3A_596 = arith.select %eq3A_593, %add3A_343, %broadcast_in_dim3A_595 : vector<128x4096xi1>, vector<128x4096xf32>
      %reduce_sum3A = arith.constant dense<0.000000e+00> : vector<128xf32>
      %reduce_sum3A_597 = vector.multi_reduction <add>, %select_n3A_596, %reduce_sum3A [1] : vector<128x4096xf32> to vector<128xf32>
      %convert_element_type3A_598 = arith.fptosi %reduce_sum3A_597 : vector<128xf32> to vector<128xi32>
      %swap3A_599 = arith.constant 0 : index
      %swap3A_600 = arith.constant 9 : index
      %swap3A_601 = vector.load %arg9[%swap3A_599, %swap3A_600] : memref<128x16xi32, #tpu.memory_space<vmem>>, vector<128x1xi32>
      %swap3A_602 = vector.shape_cast %swap3A_601 : vector<128x1xi32> to vector<128xi32>
      %swap3A_603 = vector.shape_cast %convert_element_type3A_598 : vector<128xi32> to vector<128x1xi32>
      tpu.vector_store %arg9[%swap3A_599, %swap3A_600], %swap3A_603 {strides = array<i32>} : memref<128x16xi32, #tpu.memory_space<vmem>>, vector<128x1xi32>,
    } else {
    }
    %ge3A_402 = arith.constant 1.100000e+01 : f32
    %ge3A_403 = arith.cmpf oge, %reduce_max3A_332, %ge3A_402 : f32
    %convert_element_type3A_404 = arith.extui %ge3A_403 : i1 to i32
    %cond3A_405 = arith.constant 0 : i32
    %cond3A_406 = arith.cmpi ne, %convert_element_type3A_404, %cond3A_405 : i32
    scf.if %cond3A_406 {
      %eq3A = arith.constant 1.100000e+01 : f32
      %eq3A_592 = vector.broadcast %eq3A : f32 to vector<128x4096xf32>
      %eq3A_593 = arith.cmpf oeq, %select_n3A_304, %eq3A_592 : vector<128x4096xf32>
      %jit3A_594 = arith.constant 0.000000e+00 : f32
      %broadcast_in_dim3A_595 = vector.broadcast %jit3A_594 : f32 to vector<128x4096xf32>
      %select_n3A_596 = arith.select %eq3A_593, %add3A_343, %broadcast_in_dim3A_595 : vector<128x4096xi1>, vector<128x4096xf32>
      %reduce_sum3A = arith.constant dense<0.000000e+00> : vector<128xf32>
      %reduce_sum3A_597 = vector.multi_reduction <add>, %select_n3A_596, %reduce_sum3A [1] : vector<128x4096xf32> to vector<128xf32>
      %convert_element_type3A_598 = arith.fptosi %reduce_sum3A_597 : vector<128xf32> to vector<128xi32>
      %swap3A_599 = arith.constant 0 : index
      %swap3A_600 = arith.constant 10 : index
      %swap3A_601 = vector.load %arg9[%swap3A_599, %swap3A_600] : memref<128x16xi32, #tpu.memory_space<vmem>>, vector<128x1xi32>
      %swap3A_602 = vector.shape_cast %swap3A_601 : vector<128x1xi32> to vector<128xi32>
      %swap3A_603 = vector.shape_cast %convert_element_type3A_598 : vector<128xi32> to vector<128x1xi32>
      tpu.vector_store %arg9[%swap3A_599, %swap3A_600], %swap3A_603 {strides = array<i32>} : memref<128x16xi32, #tpu.memory_space<vmem>>, vector<128x1xi32>,
    } else {
    }
    %ge3A_407 = arith.constant 1.200000e+01 : f32
    %ge3A_408 = arith.cmpf oge, %reduce_max3A_332, %ge3A_407 : f32
    %convert_element_type3A_409 = arith.extui %ge3A_408 : i1 to i32
    %cond3A_410 = arith.constant 0 : i32
    %cond3A_411 = arith.cmpi ne, %convert_element_type3A_409, %cond3A_410 : i32
    scf.if %cond3A_411 {
      %eq3A = arith.constant 1.200000e+01 : f32
      %eq3A_592 = vector.broadcast %eq3A : f32 to vector<128x4096xf32>
      %eq3A_593 = arith.cmpf oeq, %select_n3A_304, %eq3A_592 : vector<128x4096xf32>
      %jit3A_594 = arith.constant 0.000000e+00 : f32
      %broadcast_in_dim3A_595 = vector.broadcast %jit3A_594 : f32 to vector<128x4096xf32>
      %select_n3A_596 = arith.select %eq3A_593, %add3A_343, %broadcast_in_dim3A_595 : vector<128x4096xi1>, vector<128x4096xf32>
      %reduce_sum3A = arith.constant dense<0.000000e+00> : vector<128xf32>
      %reduce_sum3A_597 = vector.multi_reduction <add>, %select_n3A_596, %reduce_sum3A [1] : vector<128x4096xf32> to vector<128xf32>
      %convert_element_type3A_598 = arith.fptosi %reduce_sum3A_597 : vector<128xf32> to vector<128xi32>
      %swap3A_599 = arith.constant 0 : index
      %swap3A_600 = arith.constant 11 : index
      %swap3A_601 = vector.load %arg9[%swap3A_599, %swap3A_600] : memref<128x16xi32, #tpu.memory_space<vmem>>, vector<128x1xi32>
      %swap3A_602 = vector.shape_cast %swap3A_601 : vector<128x1xi32> to vector<128xi32>
      %swap3A_603 = vector.shape_cast %convert_element_type3A_598 : vector<128xi32> to vector<128x1xi32>
      tpu.vector_store %arg9[%swap3A_599, %swap3A_600], %swap3A_603 {strides = array<i32>} : memref<128x16xi32, #tpu.memory_space<vmem>>, vector<128x1xi32>,
    } else {
    }
    %ge3A_412 = arith.constant 1.300000e+01 : f32
    %ge3A_413 = arith.cmpf oge, %reduce_max3A_332, %ge3A_412 : f32
    %convert_element_type3A_414 = arith.extui %ge3A_413 : i1 to i32
    %cond3A_415 = arith.constant 0 : i32
    %cond3A_416 = arith.cmpi ne, %convert_element_type3A_414, %cond3A_415 : i32
    scf.if %cond3A_416 {
      %eq3A = arith.constant 1.300000e+01 : f32
      %eq3A_592 = vector.broadcast %eq3A : f32 to vector<128x4096xf32>
      %eq3A_593 = arith.cmpf oeq, %select_n3A_304, %eq3A_592 : vector<128x4096xf32>
      %jit3A_594 = arith.constant 0.000000e+00 : f32
      %broadcast_in_dim3A_595 = vector.broadcast %jit3A_594 : f32 to vector<128x4096xf32>
      %select_n3A_596 = arith.select %eq3A_593, %add3A_343, %broadcast_in_dim3A_595 : vector<128x4096xi1>, vector<128x4096xf32>
      %reduce_sum3A = arith.constant dense<0.000000e+00> : vector<128xf32>
      %reduce_sum3A_597 = vector.multi_reduction <add>, %select_n3A_596, %reduce_sum3A [1] : vector<128x4096xf32> to vector<128xf32>
      %convert_element_type3A_598 = arith.fptosi %reduce_sum3A_597 : vector<128xf32> to vector<128xi32>
      %swap3A_599 = arith.constant 0 : index
      %swap3A_600 = arith.constant 12 : index
      %swap3A_601 = vector.load %arg9[%swap3A_599, %swap3A_600] : memref<128x16xi32, #tpu.memory_space<vmem>>, vector<128x1xi32>
      %swap3A_602 = vector.shape_cast %swap3A_601 : vector<128x1xi32> to vector<128xi32>
      %swap3A_603 = vector.shape_cast %convert_element_type3A_598 : vector<128xi32> to vector<128x1xi32>
      tpu.vector_store %arg9[%swap3A_599, %swap3A_600], %swap3A_603 {strides = array<i32>} : memref<128x16xi32, #tpu.memory_space<vmem>>, vector<128x1xi32>,
    } else {
    }
    %ge3A_417 = arith.constant 1.400000e+01 : f32
    %ge3A_418 = arith.cmpf oge, %reduce_max3A_332, %ge3A_417 : f32
    %convert_element_type3A_419 = arith.extui %ge3A_418 : i1 to i32
    %cond3A_420 = arith.constant 0 : i32
    %cond3A_421 = arith.cmpi ne, %convert_element_type3A_419, %cond3A_420 : i32
    scf.if %cond3A_421 {
      %eq3A = arith.constant 1.400000e+01 : f32
      %eq3A_592 = vector.broadcast %eq3A : f32 to vector<128x4096xf32>
      %eq3A_593 = arith.cmpf oeq, %select_n3A_304, %eq3A_592 : vector<128x4096xf32>
      %jit3A_594 = arith.constant 0.000000e+00 : f32
      %broadcast_in_dim3A_595 = vector.broadcast %jit3A_594 : f32 to vector<128x4096xf32>
      %select_n3A_596 = arith.select %eq3A_593, %add3A_343, %broadcast_in_dim3A_595 : vector<128x4096xi1>, vector<128x4096xf32>
      %reduce_sum3A = arith.constant dense<0.000000e+00> : vector<128xf32>
      %reduce_sum3A_597 = vector.multi_reduction <add>, %select_n3A_596, %reduce_sum3A [1] : vector<128x4096xf32> to vector<128xf32>
      %convert_element_type3A_598 = arith.fptosi %reduce_sum3A_597 : vector<128xf32> to vector<128xi32>
      %swap3A_599 = arith.constant 0 : index
      %swap3A_600 = arith.constant 13 : index
      %swap3A_601 = vector.load %arg9[%swap3A_599, %swap3A_600] : memref<128x16xi32, #tpu.memory_space<vmem>>, vector<128x1xi32>
      %swap3A_602 = vector.shape_cast %swap3A_601 : vector<128x1xi32> to vector<128xi32>
      %swap3A_603 = vector.shape_cast %convert_element_type3A_598 : vector<128xi32> to vector<128x1xi32>
      tpu.vector_store %arg9[%swap3A_599, %swap3A_600], %swap3A_603 {strides = array<i32>} : memref<128x16xi32, #tpu.memory_space<vmem>>, vector<128x1xi32>,
    } else {
    }
    %ge3A_422 = arith.constant 1.500000e+01 : f32
    %ge3A_423 = arith.cmpf oge, %reduce_max3A_332, %ge3A_422 : f32
    %convert_element_type3A_424 = arith.extui %ge3A_423 : i1 to i32
    %cond3A_425 = arith.constant 0 : i32
    %cond3A_426 = arith.cmpi ne, %convert_element_type3A_424, %cond3A_425 : i32
    scf.if %cond3A_426 {
      %eq3A = arith.constant 1.500000e+01 : f32
      %eq3A_592 = vector.broadcast %eq3A : f32 to vector<128x4096xf32>
      %eq3A_593 = arith.cmpf oeq, %select_n3A_304, %eq3A_592 : vector<128x4096xf32>
      %jit3A_594 = arith.constant 0.000000e+00 : f32
      %broadcast_in_dim3A_595 = vector.broadcast %jit3A_594 : f32 to vector<128x4096xf32>
      %select_n3A_596 = arith.select %eq3A_593, %add3A_343, %broadcast_in_dim3A_595 : vector<128x4096xi1>, vector<128x4096xf32>
      %reduce_sum3A = arith.constant dense<0.000000e+00> : vector<128xf32>
      %reduce_sum3A_597 = vector.multi_reduction <add>, %select_n3A_596, %reduce_sum3A [1] : vector<128x4096xf32> to vector<128xf32>
      %convert_element_type3A_598 = arith.fptosi %reduce_sum3A_597 : vector<128xf32> to vector<128xi32>
      %swap3A_599 = arith.constant 0 : index
      %swap3A_600 = arith.constant 14 : index
      %swap3A_601 = vector.load %arg9[%swap3A_599, %swap3A_600] : memref<128x16xi32, #tpu.memory_space<vmem>>, vector<128x1xi32>
      %swap3A_602 = vector.shape_cast %swap3A_601 : vector<128x1xi32> to vector<128xi32>
      %swap3A_603 = vector.shape_cast %convert_element_type3A_598 : vector<128xi32> to vector<128x1xi32>
      tpu.vector_store %arg9[%swap3A_599, %swap3A_600], %swap3A_603 {strides = array<i32>} : memref<128x16xi32, #tpu.memory_space<vmem>>, vector<128x1xi32>,
    } else {
    }
    %ge3A_427 = arith.constant 1.600000e+01 : f32
    %ge3A_428 = arith.cmpf oge, %reduce_max3A_332, %ge3A_427 : f32
    %convert_element_type3A_429 = arith.extui %ge3A_428 : i1 to i32
    %cond3A_430 = arith.constant 0 : i32
    %cond3A_431 = arith.cmpi ne, %convert_element_type3A_429, %cond3A_430 : i32
    scf.if %cond3A_431 {
      %eq3A = arith.constant 1.600000e+01 : f32
      %eq3A_592 = vector.broadcast %eq3A : f32 to vector<128x4096xf32>
      %eq3A_593 = arith.cmpf oeq, %select_n3A_304, %eq3A_592 : vector<128x4096xf32>
      %jit3A_594 = arith.constant 0.000000e+00 : f32
      %broadcast_in_dim3A_595 = vector.broadcast %jit3A_594 : f32 to vector<128x4096xf32>
      %select_n3A_596 = arith.select %eq3A_593, %add3A_343, %broadcast_in_dim3A_595 : vector<128x4096xi1>, vector<128x4096xf32>
      %reduce_sum3A = arith.constant dense<0.000000e+00> : vector<128xf32>
      %reduce_sum3A_597 = vector.multi_reduction <add>, %select_n3A_596, %reduce_sum3A [1] : vector<128x4096xf32> to vector<128xf32>
      %convert_element_type3A_598 = arith.fptosi %reduce_sum3A_597 : vector<128xf32> to vector<128xi32>
      %swap3A_599 = arith.constant 0 : index
      %swap3A_600 = arith.constant 15 : index
      %swap3A_601 = vector.load %arg9[%swap3A_599, %swap3A_600] : memref<128x16xi32, #tpu.memory_space<vmem>>, vector<128x1xi32>
      %swap3A_602 = vector.shape_cast %swap3A_601 : vector<128x1xi32> to vector<128xi32>
      %swap3A_603 = vector.shape_cast %convert_element_type3A_598 : vector<128xi32> to vector<128x1xi32>
      tpu.vector_store %arg9[%swap3A_599, %swap3A_600], %swap3A_603 {strides = array<i32>} : memref<128x16xi32, #tpu.memory_space<vmem>>, vector<128x1xi32>,
    } else {
    }
    %ge3A_432 = arith.constant 1.000000e+00 : f32
    %ge3A_433 = arith.cmpf oge, %reduce_max3A_337, %ge3A_432 : f32
    %convert_element_type3A_434 = arith.extui %ge3A_433 : i1 to i32
    %cond3A_435 = arith.constant 0 : i32
    %cond3A_436 = arith.cmpi ne, %convert_element_type3A_434, %cond3A_435 : i32
    scf.if %cond3A_436 {
      %eq3A = arith.constant 1.000000e+00 : f32
      %eq3A_592 = vector.broadcast %eq3A : f32 to vector<128x4096xf32>
      %eq3A_593 = arith.cmpf oeq, %select_n3A_311, %eq3A_592 : vector<128x4096xf32>
      %jit3A_594 = arith.constant 0.000000e+00 : f32
      %broadcast_in_dim3A_595 = vector.broadcast %jit3A_594 : f32 to vector<128x4096xf32>
      %select_n3A_596 = arith.select %eq3A_593, %add3A_343, %broadcast_in_dim3A_595 : vector<128x4096xi1>, vector<128x4096xf32>
      %reduce_sum3A = arith.constant dense<0.000000e+00> : vector<128xf32>
      %reduce_sum3A_597 = vector.multi_reduction <add>, %select_n3A_596, %reduce_sum3A [1] : vector<128x4096xf32> to vector<128xf32>
      %convert_element_type3A_598 = arith.fptosi %reduce_sum3A_597 : vector<128xf32> to vector<128xi32>
      %swap3A_599 = arith.constant 0 : index
      %swap3A_600 = arith.constant 0 : index
      %swap3A_601 = vector.load %arg10[%swap3A_599, %swap3A_600] : memref<128x32xi32, #tpu.memory_space<vmem>>, vector<128x1xi32>
      %swap3A_602 = vector.shape_cast %swap3A_601 : vector<128x1xi32> to vector<128xi32>
      %swap3A_603 = vector.shape_cast %convert_element_type3A_598 : vector<128xi32> to vector<128x1xi32>
      tpu.vector_store %arg10[%swap3A_599, %swap3A_600], %swap3A_603 {strides = array<i32>} : memref<128x32xi32, #tpu.memory_space<vmem>>, vector<128x1xi32>,
    } else {
    }
    %ge3A_437 = arith.constant 2.000000e+00 : f32
    %ge3A_438 = arith.cmpf oge, %reduce_max3A_337, %ge3A_437 : f32
    %convert_element_type3A_439 = arith.extui %ge3A_438 : i1 to i32
    %cond3A_440 = arith.constant 0 : i32
    %cond3A_441 = arith.cmpi ne, %convert_element_type3A_439, %cond3A_440 : i32
    scf.if %cond3A_441 {
      %eq3A = arith.constant 2.000000e+00 : f32
      %eq3A_592 = vector.broadcast %eq3A : f32 to vector<128x4096xf32>
      %eq3A_593 = arith.cmpf oeq, %select_n3A_311, %eq3A_592 : vector<128x4096xf32>
      %jit3A_594 = arith.constant 0.000000e+00 : f32
      %broadcast_in_dim3A_595 = vector.broadcast %jit3A_594 : f32 to vector<128x4096xf32>
      %select_n3A_596 = arith.select %eq3A_593, %add3A_343, %broadcast_in_dim3A_595 : vector<128x4096xi1>, vector<128x4096xf32>
      %reduce_sum3A = arith.constant dense<0.000000e+00> : vector<128xf32>
      %reduce_sum3A_597 = vector.multi_reduction <add>, %select_n3A_596, %reduce_sum3A [1] : vector<128x4096xf32> to vector<128xf32>
      %convert_element_type3A_598 = arith.fptosi %reduce_sum3A_597 : vector<128xf32> to vector<128xi32>
      %swap3A_599 = arith.constant 0 : index
      %swap3A_600 = arith.constant 1 : index
      %swap3A_601 = vector.load %arg10[%swap3A_599, %swap3A_600] : memref<128x32xi32, #tpu.memory_space<vmem>>, vector<128x1xi32>
      %swap3A_602 = vector.shape_cast %swap3A_601 : vector<128x1xi32> to vector<128xi32>
      %swap3A_603 = vector.shape_cast %convert_element_type3A_598 : vector<128xi32> to vector<128x1xi32>
      tpu.vector_store %arg10[%swap3A_599, %swap3A_600], %swap3A_603 {strides = array<i32>} : memref<128x32xi32, #tpu.memory_space<vmem>>, vector<128x1xi32>,
    } else {
    }
    %ge3A_442 = arith.constant 3.000000e+00 : f32
    %ge3A_443 = arith.cmpf oge, %reduce_max3A_337, %ge3A_442 : f32
    %convert_element_type3A_444 = arith.extui %ge3A_443 : i1 to i32
    %cond3A_445 = arith.constant 0 : i32
    %cond3A_446 = arith.cmpi ne, %convert_element_type3A_444, %cond3A_445 : i32
    scf.if %cond3A_446 {
      %eq3A = arith.constant 3.000000e+00 : f32
      %eq3A_592 = vector.broadcast %eq3A : f32 to vector<128x4096xf32>
      %eq3A_593 = arith.cmpf oeq, %select_n3A_311, %eq3A_592 : vector<128x4096xf32>
      %jit3A_594 = arith.constant 0.000000e+00 : f32
      %broadcast_in_dim3A_595 = vector.broadcast %jit3A_594 : f32 to vector<128x4096xf32>
      %select_n3A_596 = arith.select %eq3A_593, %add3A_343, %broadcast_in_dim3A_595 : vector<128x4096xi1>, vector<128x4096xf32>
      %reduce_sum3A = arith.constant dense<0.000000e+00> : vector<128xf32>
      %reduce_sum3A_597 = vector.multi_reduction <add>, %select_n3A_596, %reduce_sum3A [1] : vector<128x4096xf32> to vector<128xf32>
      %convert_element_type3A_598 = arith.fptosi %reduce_sum3A_597 : vector<128xf32> to vector<128xi32>
      %swap3A_599 = arith.constant 0 : index
      %swap3A_600 = arith.constant 2 : index
      %swap3A_601 = vector.load %arg10[%swap3A_599, %swap3A_600] : memref<128x32xi32, #tpu.memory_space<vmem>>, vector<128x1xi32>
      %swap3A_602 = vector.shape_cast %swap3A_601 : vector<128x1xi32> to vector<128xi32>
      %swap3A_603 = vector.shape_cast %convert_element_type3A_598 : vector<128xi32> to vector<128x1xi32>
      tpu.vector_store %arg10[%swap3A_599, %swap3A_600], %swap3A_603 {strides = array<i32>} : memref<128x32xi32, #tpu.memory_space<vmem>>, vector<128x1xi32>,
    } else {
    }
    %ge3A_447 = arith.constant 4.000000e+00 : f32
    %ge3A_448 = arith.cmpf oge, %reduce_max3A_337, %ge3A_447 : f32
    %convert_element_type3A_449 = arith.extui %ge3A_448 : i1 to i32
    %cond3A_450 = arith.constant 0 : i32
    %cond3A_451 = arith.cmpi ne, %convert_element_type3A_449, %cond3A_450 : i32
    scf.if %cond3A_451 {
      %eq3A = arith.constant 4.000000e+00 : f32
      %eq3A_592 = vector.broadcast %eq3A : f32 to vector<128x4096xf32>
      %eq3A_593 = arith.cmpf oeq, %select_n3A_311, %eq3A_592 : vector<128x4096xf32>
      %jit3A_594 = arith.constant 0.000000e+00 : f32
      %broadcast_in_dim3A_595 = vector.broadcast %jit3A_594 : f32 to vector<128x4096xf32>
      %select_n3A_596 = arith.select %eq3A_593, %add3A_343, %broadcast_in_dim3A_595 : vector<128x4096xi1>, vector<128x4096xf32>
      %reduce_sum3A = arith.constant dense<0.000000e+00> : vector<128xf32>
      %reduce_sum3A_597 = vector.multi_reduction <add>, %select_n3A_596, %reduce_sum3A [1] : vector<128x4096xf32> to vector<128xf32>
      %convert_element_type3A_598 = arith.fptosi %reduce_sum3A_597 : vector<128xf32> to vector<128xi32>
      %swap3A_599 = arith.constant 0 : index
      %swap3A_600 = arith.constant 3 : index
      %swap3A_601 = vector.load %arg10[%swap3A_599, %swap3A_600] : memref<128x32xi32, #tpu.memory_space<vmem>>, vector<128x1xi32>
      %swap3A_602 = vector.shape_cast %swap3A_601 : vector<128x1xi32> to vector<128xi32>
      %swap3A_603 = vector.shape_cast %convert_element_type3A_598 : vector<128xi32> to vector<128x1xi32>
      tpu.vector_store %arg10[%swap3A_599, %swap3A_600], %swap3A_603 {strides = array<i32>} : memref<128x32xi32, #tpu.memory_space<vmem>>, vector<128x1xi32>,
    } else {
    }
    %ge3A_452 = arith.constant 5.000000e+00 : f32
    %ge3A_453 = arith.cmpf oge, %reduce_max3A_337, %ge3A_452 : f32
    %convert_element_type3A_454 = arith.extui %ge3A_453 : i1 to i32
    %cond3A_455 = arith.constant 0 : i32
    %cond3A_456 = arith.cmpi ne, %convert_element_type3A_454, %cond3A_455 : i32
    scf.if %cond3A_456 {
      %eq3A = arith.constant 5.000000e+00 : f32
      %eq3A_592 = vector.broadcast %eq3A : f32 to vector<128x4096xf32>
      %eq3A_593 = arith.cmpf oeq, %select_n3A_311, %eq3A_592 : vector<128x4096xf32>
      %jit3A_594 = arith.constant 0.000000e+00 : f32
      %broadcast_in_dim3A_595 = vector.broadcast %jit3A_594 : f32 to vector<128x4096xf32>
      %select_n3A_596 = arith.select %eq3A_593, %add3A_343, %broadcast_in_dim3A_595 : vector<128x4096xi1>, vector<128x4096xf32>
      %reduce_sum3A = arith.constant dense<0.000000e+00> : vector<128xf32>
      %reduce_sum3A_597 = vector.multi_reduction <add>, %select_n3A_596, %reduce_sum3A [1] : vector<128x4096xf32> to vector<128xf32>
      %convert_element_type3A_598 = arith.fptosi %reduce_sum3A_597 : vector<128xf32> to vector<128xi32>
      %swap3A_599 = arith.constant 0 : index
      %swap3A_600 = arith.constant 4 : index
      %swap3A_601 = vector.load %arg10[%swap3A_599, %swap3A_600] : memref<128x32xi32, #tpu.memory_space<vmem>>, vector<128x1xi32>
      %swap3A_602 = vector.shape_cast %swap3A_601 : vector<128x1xi32> to vector<128xi32>
      %swap3A_603 = vector.shape_cast %convert_element_type3A_598 : vector<128xi32> to vector<128x1xi32>
      tpu.vector_store %arg10[%swap3A_599, %swap3A_600], %swap3A_603 {strides = array<i32>} : memref<128x32xi32, #tpu.memory_space<vmem>>, vector<128x1xi32>,
    } else {
    }
    %ge3A_457 = arith.constant 6.000000e+00 : f32
    %ge3A_458 = arith.cmpf oge, %reduce_max3A_337, %ge3A_457 : f32
    %convert_element_type3A_459 = arith.extui %ge3A_458 : i1 to i32
    %cond3A_460 = arith.constant 0 : i32
    %cond3A_461 = arith.cmpi ne, %convert_element_type3A_459, %cond3A_460 : i32
    scf.if %cond3A_461 {
      %eq3A = arith.constant 6.000000e+00 : f32
      %eq3A_592 = vector.broadcast %eq3A : f32 to vector<128x4096xf32>
      %eq3A_593 = arith.cmpf oeq, %select_n3A_311, %eq3A_592 : vector<128x4096xf32>
      %jit3A_594 = arith.constant 0.000000e+00 : f32
      %broadcast_in_dim3A_595 = vector.broadcast %jit3A_594 : f32 to vector<128x4096xf32>
      %select_n3A_596 = arith.select %eq3A_593, %add3A_343, %broadcast_in_dim3A_595 : vector<128x4096xi1>, vector<128x4096xf32>
      %reduce_sum3A = arith.constant dense<0.000000e+00> : vector<128xf32>
      %reduce_sum3A_597 = vector.multi_reduction <add>, %select_n3A_596, %reduce_sum3A [1] : vector<128x4096xf32> to vector<128xf32>
      %convert_element_type3A_598 = arith.fptosi %reduce_sum3A_597 : vector<128xf32> to vector<128xi32>
      %swap3A_599 = arith.constant 0 : index
      %swap3A_600 = arith.constant 5 : index
      %swap3A_601 = vector.load %arg10[%swap3A_599, %swap3A_600] : memref<128x32xi32, #tpu.memory_space<vmem>>, vector<128x1xi32>
      %swap3A_602 = vector.shape_cast %swap3A_601 : vector<128x1xi32> to vector<128xi32>
      %swap3A_603 = vector.shape_cast %convert_element_type3A_598 : vector<128xi32> to vector<128x1xi32>
      tpu.vector_store %arg10[%swap3A_599, %swap3A_600], %swap3A_603 {strides = array<i32>} : memref<128x32xi32, #tpu.memory_space<vmem>>, vector<128x1xi32>,
    } else {
    }
    %ge3A_462 = arith.constant 7.000000e+00 : f32
    %ge3A_463 = arith.cmpf oge, %reduce_max3A_337, %ge3A_462 : f32
    %convert_element_type3A_464 = arith.extui %ge3A_463 : i1 to i32
    %cond3A_465 = arith.constant 0 : i32
    %cond3A_466 = arith.cmpi ne, %convert_element_type3A_464, %cond3A_465 : i32
    scf.if %cond3A_466 {
      %eq3A = arith.constant 7.000000e+00 : f32
      %eq3A_592 = vector.broadcast %eq3A : f32 to vector<128x4096xf32>
      %eq3A_593 = arith.cmpf oeq, %select_n3A_311, %eq3A_592 : vector<128x4096xf32>
      %jit3A_594 = arith.constant 0.000000e+00 : f32
      %broadcast_in_dim3A_595 = vector.broadcast %jit3A_594 : f32 to vector<128x4096xf32>
      %select_n3A_596 = arith.select %eq3A_593, %add3A_343, %broadcast_in_dim3A_595 : vector<128x4096xi1>, vector<128x4096xf32>
      %reduce_sum3A = arith.constant dense<0.000000e+00> : vector<128xf32>
      %reduce_sum3A_597 = vector.multi_reduction <add>, %select_n3A_596, %reduce_sum3A [1] : vector<128x4096xf32> to vector<128xf32>
      %convert_element_type3A_598 = arith.fptosi %reduce_sum3A_597 : vector<128xf32> to vector<128xi32>
      %swap3A_599 = arith.constant 0 : index
      %swap3A_600 = arith.constant 6 : index
      %swap3A_601 = vector.load %arg10[%swap3A_599, %swap3A_600] : memref<128x32xi32, #tpu.memory_space<vmem>>, vector<128x1xi32>
      %swap3A_602 = vector.shape_cast %swap3A_601 : vector<128x1xi32> to vector<128xi32>
      %swap3A_603 = vector.shape_cast %convert_element_type3A_598 : vector<128xi32> to vector<128x1xi32>
      tpu.vector_store %arg10[%swap3A_599, %swap3A_600], %swap3A_603 {strides = array<i32>} : memref<128x32xi32, #tpu.memory_space<vmem>>, vector<128x1xi32>,
    } else {
    }
    %ge3A_467 = arith.constant 8.000000e+00 : f32
    %ge3A_468 = arith.cmpf oge, %reduce_max3A_337, %ge3A_467 : f32
    %convert_element_type3A_469 = arith.extui %ge3A_468 : i1 to i32
    %cond3A_470 = arith.constant 0 : i32
    %cond3A_471 = arith.cmpi ne, %convert_element_type3A_469, %cond3A_470 : i32
    scf.if %cond3A_471 {
      %eq3A = arith.constant 8.000000e+00 : f32
      %eq3A_592 = vector.broadcast %eq3A : f32 to vector<128x4096xf32>
      %eq3A_593 = arith.cmpf oeq, %select_n3A_311, %eq3A_592 : vector<128x4096xf32>
      %jit3A_594 = arith.constant 0.000000e+00 : f32
      %broadcast_in_dim3A_595 = vector.broadcast %jit3A_594 : f32 to vector<128x4096xf32>
      %select_n3A_596 = arith.select %eq3A_593, %add3A_343, %broadcast_in_dim3A_595 : vector<128x4096xi1>, vector<128x4096xf32>
      %reduce_sum3A = arith.constant dense<0.000000e+00> : vector<128xf32>
      %reduce_sum3A_597 = vector.multi_reduction <add>, %select_n3A_596, %reduce_sum3A [1] : vector<128x4096xf32> to vector<128xf32>
      %convert_element_type3A_598 = arith.fptosi %reduce_sum3A_597 : vector<128xf32> to vector<128xi32>
      %swap3A_599 = arith.constant 0 : index
      %swap3A_600 = arith.constant 7 : index
      %swap3A_601 = vector.load %arg10[%swap3A_599, %swap3A_600] : memref<128x32xi32, #tpu.memory_space<vmem>>, vector<128x1xi32>
      %swap3A_602 = vector.shape_cast %swap3A_601 : vector<128x1xi32> to vector<128xi32>
      %swap3A_603 = vector.shape_cast %convert_element_type3A_598 : vector<128xi32> to vector<128x1xi32>
      tpu.vector_store %arg10[%swap3A_599, %swap3A_600], %swap3A_603 {strides = array<i32>} : memref<128x32xi32, #tpu.memory_space<vmem>>, vector<128x1xi32>,
    } else {
    }
    %ge3A_472 = arith.constant 9.000000e+00 : f32
    %ge3A_473 = arith.cmpf oge, %reduce_max3A_337, %ge3A_472 : f32
    %convert_element_type3A_474 = arith.extui %ge3A_473 : i1 to i32
    %cond3A_475 = arith.constant 0 : i32
    %cond3A_476 = arith.cmpi ne, %convert_element_type3A_474, %cond3A_475 : i32
    scf.if %cond3A_476 {
      %eq3A = arith.constant 9.000000e+00 : f32
      %eq3A_592 = vector.broadcast %eq3A : f32 to vector<128x4096xf32>
      %eq3A_593 = arith.cmpf oeq, %select_n3A_311, %eq3A_592 : vector<128x4096xf32>
      %jit3A_594 = arith.constant 0.000000e+00 : f32
      %broadcast_in_dim3A_595 = vector.broadcast %jit3A_594 : f32 to vector<128x4096xf32>
      %select_n3A_596 = arith.select %eq3A_593, %add3A_343, %broadcast_in_dim3A_595 : vector<128x4096xi1>, vector<128x4096xf32>
      %reduce_sum3A = arith.constant dense<0.000000e+00> : vector<128xf32>
      %reduce_sum3A_597 = vector.multi_reduction <add>, %select_n3A_596, %reduce_sum3A [1] : vector<128x4096xf32> to vector<128xf32>
      %convert_element_type3A_598 = arith.fptosi %reduce_sum3A_597 : vector<128xf32> to vector<128xi32>
      %swap3A_599 = arith.constant 0 : index
      %swap3A_600 = arith.constant 8 : index
      %swap3A_601 = vector.load %arg10[%swap3A_599, %swap3A_600] : memref<128x32xi32, #tpu.memory_space<vmem>>, vector<128x1xi32>
      %swap3A_602 = vector.shape_cast %swap3A_601 : vector<128x1xi32> to vector<128xi32>
      %swap3A_603 = vector.shape_cast %convert_element_type3A_598 : vector<128xi32> to vector<128x1xi32>
      tpu.vector_store %arg10[%swap3A_599, %swap3A_600], %swap3A_603 {strides = array<i32>} : memref<128x32xi32, #tpu.memory_space<vmem>>, vector<128x1xi32>,
    } else {
    }
    %ge3A_477 = arith.constant 1.000000e+01 : f32
    %ge3A_478 = arith.cmpf oge, %reduce_max3A_337, %ge3A_477 : f32
    %convert_element_type3A_479 = arith.extui %ge3A_478 : i1 to i32
    %cond3A_480 = arith.constant 0 : i32
    %cond3A_481 = arith.cmpi ne, %convert_element_type3A_479, %cond3A_480 : i32
    scf.if %cond3A_481 {
      %eq3A = arith.constant 1.000000e+01 : f32
      %eq3A_592 = vector.broadcast %eq3A : f32 to vector<128x4096xf32>
      %eq3A_593 = arith.cmpf oeq, %select_n3A_311, %eq3A_592 : vector<128x4096xf32>
      %jit3A_594 = arith.constant 0.000000e+00 : f32
      %broadcast_in_dim3A_595 = vector.broadcast %jit3A_594 : f32 to vector<128x4096xf32>
      %select_n3A_596 = arith.select %eq3A_593, %add3A_343, %broadcast_in_dim3A_595 : vector<128x4096xi1>, vector<128x4096xf32>
      %reduce_sum3A = arith.constant dense<0.000000e+00> : vector<128xf32>
      %reduce_sum3A_597 = vector.multi_reduction <add>, %select_n3A_596, %reduce_sum3A [1] : vector<128x4096xf32> to vector<128xf32>
      %convert_element_type3A_598 = arith.fptosi %reduce_sum3A_597 : vector<128xf32> to vector<128xi32>
      %swap3A_599 = arith.constant 0 : index
      %swap3A_600 = arith.constant 9 : index
      %swap3A_601 = vector.load %arg10[%swap3A_599, %swap3A_600] : memref<128x32xi32, #tpu.memory_space<vmem>>, vector<128x1xi32>
      %swap3A_602 = vector.shape_cast %swap3A_601 : vector<128x1xi32> to vector<128xi32>
      %swap3A_603 = vector.shape_cast %convert_element_type3A_598 : vector<128xi32> to vector<128x1xi32>
      tpu.vector_store %arg10[%swap3A_599, %swap3A_600], %swap3A_603 {strides = array<i32>} : memref<128x32xi32, #tpu.memory_space<vmem>>, vector<128x1xi32>,
    } else {
    }
    %ge3A_482 = arith.constant 1.100000e+01 : f32
    %ge3A_483 = arith.cmpf oge, %reduce_max3A_337, %ge3A_482 : f32
    %convert_element_type3A_484 = arith.extui %ge3A_483 : i1 to i32
    %cond3A_485 = arith.constant 0 : i32
    %cond3A_486 = arith.cmpi ne, %convert_element_type3A_484, %cond3A_485 : i32
    scf.if %cond3A_486 {
      %eq3A = arith.constant 1.100000e+01 : f32
      %eq3A_592 = vector.broadcast %eq3A : f32 to vector<128x4096xf32>
      %eq3A_593 = arith.cmpf oeq, %select_n3A_311, %eq3A_592 : vector<128x4096xf32>
      %jit3A_594 = arith.constant 0.000000e+00 : f32
      %broadcast_in_dim3A_595 = vector.broadcast %jit3A_594 : f32 to vector<128x4096xf32>
      %select_n3A_596 = arith.select %eq3A_593, %add3A_343, %broadcast_in_dim3A_595 : vector<128x4096xi1>, vector<128x4096xf32>
      %reduce_sum3A = arith.constant dense<0.000000e+00> : vector<128xf32>
      %reduce_sum3A_597 = vector.multi_reduction <add>, %select_n3A_596, %reduce_sum3A [1] : vector<128x4096xf32> to vector<128xf32>
      %convert_element_type3A_598 = arith.fptosi %reduce_sum3A_597 : vector<128xf32> to vector<128xi32>
      %swap3A_599 = arith.constant 0 : index
      %swap3A_600 = arith.constant 10 : index
      %swap3A_601 = vector.load %arg10[%swap3A_599, %swap3A_600] : memref<128x32xi32, #tpu.memory_space<vmem>>, vector<128x1xi32>
      %swap3A_602 = vector.shape_cast %swap3A_601 : vector<128x1xi32> to vector<128xi32>
      %swap3A_603 = vector.shape_cast %convert_element_type3A_598 : vector<128xi32> to vector<128x1xi32>
      tpu.vector_store %arg10[%swap3A_599, %swap3A_600], %swap3A_603 {strides = array<i32>} : memref<128x32xi32, #tpu.memory_space<vmem>>, vector<128x1xi32>,
    } else {
    }
    %ge3A_487 = arith.constant 1.200000e+01 : f32
    %ge3A_488 = arith.cmpf oge, %reduce_max3A_337, %ge3A_487 : f32
    %convert_element_type3A_489 = arith.extui %ge3A_488 : i1 to i32
    %cond3A_490 = arith.constant 0 : i32
    %cond3A_491 = arith.cmpi ne, %convert_element_type3A_489, %cond3A_490 : i32
    scf.if %cond3A_491 {
      %eq3A = arith.constant 1.200000e+01 : f32
      %eq3A_592 = vector.broadcast %eq3A : f32 to vector<128x4096xf32>
      %eq3A_593 = arith.cmpf oeq, %select_n3A_311, %eq3A_592 : vector<128x4096xf32>
      %jit3A_594 = arith.constant 0.000000e+00 : f32
      %broadcast_in_dim3A_595 = vector.broadcast %jit3A_594 : f32 to vector<128x4096xf32>
      %select_n3A_596 = arith.select %eq3A_593, %add3A_343, %broadcast_in_dim3A_595 : vector<128x4096xi1>, vector<128x4096xf32>
      %reduce_sum3A = arith.constant dense<0.000000e+00> : vector<128xf32>
      %reduce_sum3A_597 = vector.multi_reduction <add>, %select_n3A_596, %reduce_sum3A [1] : vector<128x4096xf32> to vector<128xf32>
      %convert_element_type3A_598 = arith.fptosi %reduce_sum3A_597 : vector<128xf32> to vector<128xi32>
      %swap3A_599 = arith.constant 0 : index
      %swap3A_600 = arith.constant 11 : index
      %swap3A_601 = vector.load %arg10[%swap3A_599, %swap3A_600] : memref<128x32xi32, #tpu.memory_space<vmem>>, vector<128x1xi32>
      %swap3A_602 = vector.shape_cast %swap3A_601 : vector<128x1xi32> to vector<128xi32>
      %swap3A_603 = vector.shape_cast %convert_element_type3A_598 : vector<128xi32> to vector<128x1xi32>
      tpu.vector_store %arg10[%swap3A_599, %swap3A_600], %swap3A_603 {strides = array<i32>} : memref<128x32xi32, #tpu.memory_space<vmem>>, vector<128x1xi32>,
    } else {
    }
    %ge3A_492 = arith.constant 1.300000e+01 : f32
    %ge3A_493 = arith.cmpf oge, %reduce_max3A_337, %ge3A_492 : f32
    %convert_element_type3A_494 = arith.extui %ge3A_493 : i1 to i32
    %cond3A_495 = arith.constant 0 : i32
    %cond3A_496 = arith.cmpi ne, %convert_element_type3A_494, %cond3A_495 : i32
    scf.if %cond3A_496 {
      %eq3A = arith.constant 1.300000e+01 : f32
      %eq3A_592 = vector.broadcast %eq3A : f32 to vector<128x4096xf32>
      %eq3A_593 = arith.cmpf oeq, %select_n3A_311, %eq3A_592 : vector<128x4096xf32>
      %jit3A_594 = arith.constant 0.000000e+00 : f32
      %broadcast_in_dim3A_595 = vector.broadcast %jit3A_594 : f32 to vector<128x4096xf32>
      %select_n3A_596 = arith.select %eq3A_593, %add3A_343, %broadcast_in_dim3A_595 : vector<128x4096xi1>, vector<128x4096xf32>
      %reduce_sum3A = arith.constant dense<0.000000e+00> : vector<128xf32>
      %reduce_sum3A_597 = vector.multi_reduction <add>, %select_n3A_596, %reduce_sum3A [1] : vector<128x4096xf32> to vector<128xf32>
      %convert_element_type3A_598 = arith.fptosi %reduce_sum3A_597 : vector<128xf32> to vector<128xi32>
      %swap3A_599 = arith.constant 0 : index
      %swap3A_600 = arith.constant 12 : index
      %swap3A_601 = vector.load %arg10[%swap3A_599, %swap3A_600] : memref<128x32xi32, #tpu.memory_space<vmem>>, vector<128x1xi32>
      %swap3A_602 = vector.shape_cast %swap3A_601 : vector<128x1xi32> to vector<128xi32>
      %swap3A_603 = vector.shape_cast %convert_element_type3A_598 : vector<128xi32> to vector<128x1xi32>
      tpu.vector_store %arg10[%swap3A_599, %swap3A_600], %swap3A_603 {strides = array<i32>} : memref<128x32xi32, #tpu.memory_space<vmem>>, vector<128x1xi32>,
    } else {
    }
    %ge3A_497 = arith.constant 1.400000e+01 : f32
    %ge3A_498 = arith.cmpf oge, %reduce_max3A_337, %ge3A_497 : f32
    %convert_element_type3A_499 = arith.extui %ge3A_498 : i1 to i32
    %cond3A_500 = arith.constant 0 : i32
    %cond3A_501 = arith.cmpi ne, %convert_element_type3A_499, %cond3A_500 : i32
    scf.if %cond3A_501 {
      %eq3A = arith.constant 1.400000e+01 : f32
      %eq3A_592 = vector.broadcast %eq3A : f32 to vector<128x4096xf32>
      %eq3A_593 = arith.cmpf oeq, %select_n3A_311, %eq3A_592 : vector<128x4096xf32>
      %jit3A_594 = arith.constant 0.000000e+00 : f32
      %broadcast_in_dim3A_595 = vector.broadcast %jit3A_594 : f32 to vector<128x4096xf32>
      %select_n3A_596 = arith.select %eq3A_593, %add3A_343, %broadcast_in_dim3A_595 : vector<128x4096xi1>, vector<128x4096xf32>
      %reduce_sum3A = arith.constant dense<0.000000e+00> : vector<128xf32>
      %reduce_sum3A_597 = vector.multi_reduction <add>, %select_n3A_596, %reduce_sum3A [1] : vector<128x4096xf32> to vector<128xf32>
      %convert_element_type3A_598 = arith.fptosi %reduce_sum3A_597 : vector<128xf32> to vector<128xi32>
      %swap3A_599 = arith.constant 0 : index
      %swap3A_600 = arith.constant 13 : index
      %swap3A_601 = vector.load %arg10[%swap3A_599, %swap3A_600] : memref<128x32xi32, #tpu.memory_space<vmem>>, vector<128x1xi32>
      %swap3A_602 = vector.shape_cast %swap3A_601 : vector<128x1xi32> to vector<128xi32>
      %swap3A_603 = vector.shape_cast %convert_element_type3A_598 : vector<128xi32> to vector<128x1xi32>
      tpu.vector_store %arg10[%swap3A_599, %swap3A_600], %swap3A_603 {strides = array<i32>} : memref<128x32xi32, #tpu.memory_space<vmem>>, vector<128x1xi32>,
    } else {
    }
    %ge3A_502 = arith.constant 1.500000e+01 : f32
    %ge3A_503 = arith.cmpf oge, %reduce_max3A_337, %ge3A_502 : f32
    %convert_element_type3A_504 = arith.extui %ge3A_503 : i1 to i32
    %cond3A_505 = arith.constant 0 : i32
    %cond3A_506 = arith.cmpi ne, %convert_element_type3A_504, %cond3A_505 : i32
    scf.if %cond3A_506 {
      %eq3A = arith.constant 1.500000e+01 : f32
      %eq3A_592 = vector.broadcast %eq3A : f32 to vector<128x4096xf32>
      %eq3A_593 = arith.cmpf oeq, %select_n3A_311, %eq3A_592 : vector<128x4096xf32>
      %jit3A_594 = arith.constant 0.000000e+00 : f32
      %broadcast_in_dim3A_595 = vector.broadcast %jit3A_594 : f32 to vector<128x4096xf32>
      %select_n3A_596 = arith.select %eq3A_593, %add3A_343, %broadcast_in_dim3A_595 : vector<128x4096xi1>, vector<128x4096xf32>
      %reduce_sum3A = arith.constant dense<0.000000e+00> : vector<128xf32>
      %reduce_sum3A_597 = vector.multi_reduction <add>, %select_n3A_596, %reduce_sum3A [1] : vector<128x4096xf32> to vector<128xf32>
      %convert_element_type3A_598 = arith.fptosi %reduce_sum3A_597 : vector<128xf32> to vector<128xi32>
      %swap3A_599 = arith.constant 0 : index
      %swap3A_600 = arith.constant 14 : index
      %swap3A_601 = vector.load %arg10[%swap3A_599, %swap3A_600] : memref<128x32xi32, #tpu.memory_space<vmem>>, vector<128x1xi32>
      %swap3A_602 = vector.shape_cast %swap3A_601 : vector<128x1xi32> to vector<128xi32>
      %swap3A_603 = vector.shape_cast %convert_element_type3A_598 : vector<128xi32> to vector<128x1xi32>
      tpu.vector_store %arg10[%swap3A_599, %swap3A_600], %swap3A_603 {strides = array<i32>} : memref<128x32xi32, #tpu.memory_space<vmem>>, vector<128x1xi32>,
    } else {
    }
    %ge3A_507 = arith.constant 1.600000e+01 : f32
    %ge3A_508 = arith.cmpf oge, %reduce_max3A_337, %ge3A_507 : f32
    %convert_element_type3A_509 = arith.extui %ge3A_508 : i1 to i32
    %cond3A_510 = arith.constant 0 : i32
    %cond3A_511 = arith.cmpi ne, %convert_element_type3A_509, %cond3A_510 : i32
    scf.if %cond3A_511 {
      %eq3A = arith.constant 1.600000e+01 : f32
      %eq3A_592 = vector.broadcast %eq3A : f32 to vector<128x4096xf32>
      %eq3A_593 = arith.cmpf oeq, %select_n3A_311, %eq3A_592 : vector<128x4096xf32>
      %jit3A_594 = arith.constant 0.000000e+00 : f32
      %broadcast_in_dim3A_595 = vector.broadcast %jit3A_594 : f32 to vector<128x4096xf32>
      %select_n3A_596 = arith.select %eq3A_593, %add3A_343, %broadcast_in_dim3A_595 : vector<128x4096xi1>, vector<128x4096xf32>
      %reduce_sum3A = arith.constant dense<0.000000e+00> : vector<128xf32>
      %reduce_sum3A_597 = vector.multi_reduction <add>, %select_n3A_596, %reduce_sum3A [1] : vector<128x4096xf32> to vector<128xf32>
      %convert_element_type3A_598 = arith.fptosi %reduce_sum3A_597 : vector<128xf32> to vector<128xi32>
      %swap3A_599 = arith.constant 0 : index
      %swap3A_600 = arith.constant 15 : index
      %swap3A_601 = vector.load %arg10[%swap3A_599, %swap3A_600] : memref<128x32xi32, #tpu.memory_space<vmem>>, vector<128x1xi32>
      %swap3A_602 = vector.shape_cast %swap3A_601 : vector<128x1xi32> to vector<128xi32>
      %swap3A_603 = vector.shape_cast %convert_element_type3A_598 : vector<128xi32> to vector<128x1xi32>
      tpu.vector_store %arg10[%swap3A_599, %swap3A_600], %swap3A_603 {strides = array<i32>} : memref<128x32xi32, #tpu.memory_space<vmem>>, vector<128x1xi32>,
    } else {
    }
    %ge3A_512 = arith.constant 1.700000e+01 : f32
    %ge3A_513 = arith.cmpf oge, %reduce_max3A_337, %ge3A_512 : f32
    %convert_element_type3A_514 = arith.extui %ge3A_513 : i1 to i32
    %cond3A_515 = arith.constant 0 : i32
    %cond3A_516 = arith.cmpi ne, %convert_element_type3A_514, %cond3A_515 : i32
    scf.if %cond3A_516 {
      %eq3A = arith.constant 1.700000e+01 : f32
      %eq3A_592 = vector.broadcast %eq3A : f32 to vector<128x4096xf32>
      %eq3A_593 = arith.cmpf oeq, %select_n3A_311, %eq3A_592 : vector<128x4096xf32>
      %jit3A_594 = arith.constant 0.000000e+00 : f32
      %broadcast_in_dim3A_595 = vector.broadcast %jit3A_594 : f32 to vector<128x4096xf32>
      %select_n3A_596 = arith.select %eq3A_593, %add3A_343, %broadcast_in_dim3A_595 : vector<128x4096xi1>, vector<128x4096xf32>
      %reduce_sum3A = arith.constant dense<0.000000e+00> : vector<128xf32>
      %reduce_sum3A_597 = vector.multi_reduction <add>, %select_n3A_596, %reduce_sum3A [1] : vector<128x4096xf32> to vector<128xf32>
      %convert_element_type3A_598 = arith.fptosi %reduce_sum3A_597 : vector<128xf32> to vector<128xi32>
      %swap3A_599 = arith.constant 0 : index
      %swap3A_600 = arith.constant 16 : index
      %swap3A_601 = vector.load %arg10[%swap3A_599, %swap3A_600] : memref<128x32xi32, #tpu.memory_space<vmem>>, vector<128x1xi32>
      %swap3A_602 = vector.shape_cast %swap3A_601 : vector<128x1xi32> to vector<128xi32>
      %swap3A_603 = vector.shape_cast %convert_element_type3A_598 : vector<128xi32> to vector<128x1xi32>
      tpu.vector_store %arg10[%swap3A_599, %swap3A_600], %swap3A_603 {strides = array<i32>} : memref<128x32xi32, #tpu.memory_space<vmem>>, vector<128x1xi32>,
    } else {
    }
    %ge3A_517 = arith.constant 1.800000e+01 : f32
    %ge3A_518 = arith.cmpf oge, %reduce_max3A_337, %ge3A_517 : f32
    %convert_element_type3A_519 = arith.extui %ge3A_518 : i1 to i32
    %cond3A_520 = arith.constant 0 : i32
    %cond3A_521 = arith.cmpi ne, %convert_element_type3A_519, %cond3A_520 : i32
    scf.if %cond3A_521 {
      %eq3A = arith.constant 1.800000e+01 : f32
      %eq3A_592 = vector.broadcast %eq3A : f32 to vector<128x4096xf32>
      %eq3A_593 = arith.cmpf oeq, %select_n3A_311, %eq3A_592 : vector<128x4096xf32>
      %jit3A_594 = arith.constant 0.000000e+00 : f32
      %broadcast_in_dim3A_595 = vector.broadcast %jit3A_594 : f32 to vector<128x4096xf32>
      %select_n3A_596 = arith.select %eq3A_593, %add3A_343, %broadcast_in_dim3A_595 : vector<128x4096xi1>, vector<128x4096xf32>
      %reduce_sum3A = arith.constant dense<0.000000e+00> : vector<128xf32>
      %reduce_sum3A_597 = vector.multi_reduction <add>, %select_n3A_596, %reduce_sum3A [1] : vector<128x4096xf32> to vector<128xf32>
      %convert_element_type3A_598 = arith.fptosi %reduce_sum3A_597 : vector<128xf32> to vector<128xi32>
      %swap3A_599 = arith.constant 0 : index
      %swap3A_600 = arith.constant 17 : index
      %swap3A_601 = vector.load %arg10[%swap3A_599, %swap3A_600] : memref<128x32xi32, #tpu.memory_space<vmem>>, vector<128x1xi32>
      %swap3A_602 = vector.shape_cast %swap3A_601 : vector<128x1xi32> to vector<128xi32>
      %swap3A_603 = vector.shape_cast %convert_element_type3A_598 : vector<128xi32> to vector<128x1xi32>
      tpu.vector_store %arg10[%swap3A_599, %swap3A_600], %swap3A_603 {strides = array<i32>} : memref<128x32xi32, #tpu.memory_space<vmem>>, vector<128x1xi32>,
    } else {
    }
    %ge3A_522 = arith.constant 1.900000e+01 : f32
    %ge3A_523 = arith.cmpf oge, %reduce_max3A_337, %ge3A_522 : f32
    %convert_element_type3A_524 = arith.extui %ge3A_523 : i1 to i32
    %cond3A_525 = arith.constant 0 : i32
    %cond3A_526 = arith.cmpi ne, %convert_element_type3A_524, %cond3A_525 : i32
    scf.if %cond3A_526 {
      %eq3A = arith.constant 1.900000e+01 : f32
      %eq3A_592 = vector.broadcast %eq3A : f32 to vector<128x4096xf32>
      %eq3A_593 = arith.cmpf oeq, %select_n3A_311, %eq3A_592 : vector<128x4096xf32>
      %jit3A_594 = arith.constant 0.000000e+00 : f32
      %broadcast_in_dim3A_595 = vector.broadcast %jit3A_594 : f32 to vector<128x4096xf32>
      %select_n3A_596 = arith.select %eq3A_593, %add3A_343, %broadcast_in_dim3A_595 : vector<128x4096xi1>, vector<128x4096xf32>
      %reduce_sum3A = arith.constant dense<0.000000e+00> : vector<128xf32>
      %reduce_sum3A_597 = vector.multi_reduction <add>, %select_n3A_596, %reduce_sum3A [1] : vector<128x4096xf32> to vector<128xf32>
      %convert_element_type3A_598 = arith.fptosi %reduce_sum3A_597 : vector<128xf32> to vector<128xi32>
      %swap3A_599 = arith.constant 0 : index
      %swap3A_600 = arith.constant 18 : index
      %swap3A_601 = vector.load %arg10[%swap3A_599, %swap3A_600] : memref<128x32xi32, #tpu.memory_space<vmem>>, vector<128x1xi32>
      %swap3A_602 = vector.shape_cast %swap3A_601 : vector<128x1xi32> to vector<128xi32>
      %swap3A_603 = vector.shape_cast %convert_element_type3A_598 : vector<128xi32> to vector<128x1xi32>
      tpu.vector_store %arg10[%swap3A_599, %swap3A_600], %swap3A_603 {strides = array<i32>} : memref<128x32xi32, #tpu.memory_space<vmem>>, vector<128x1xi32>,
    } else {
    }
    %ge3A_527 = arith.constant 2.000000e+01 : f32
    %ge3A_528 = arith.cmpf oge, %reduce_max3A_337, %ge3A_527 : f32
    %convert_element_type3A_529 = arith.extui %ge3A_528 : i1 to i32
    %cond3A_530 = arith.constant 0 : i32
    %cond3A_531 = arith.cmpi ne, %convert_element_type3A_529, %cond3A_530 : i32
    scf.if %cond3A_531 {
      %eq3A = arith.constant 2.000000e+01 : f32
      %eq3A_592 = vector.broadcast %eq3A : f32 to vector<128x4096xf32>
      %eq3A_593 = arith.cmpf oeq, %select_n3A_311, %eq3A_592 : vector<128x4096xf32>
      %jit3A_594 = arith.constant 0.000000e+00 : f32
      %broadcast_in_dim3A_595 = vector.broadcast %jit3A_594 : f32 to vector<128x4096xf32>
      %select_n3A_596 = arith.select %eq3A_593, %add3A_343, %broadcast_in_dim3A_595 : vector<128x4096xi1>, vector<128x4096xf32>
      %reduce_sum3A = arith.constant dense<0.000000e+00> : vector<128xf32>
      %reduce_sum3A_597 = vector.multi_reduction <add>, %select_n3A_596, %reduce_sum3A [1] : vector<128x4096xf32> to vector<128xf32>
      %convert_element_type3A_598 = arith.fptosi %reduce_sum3A_597 : vector<128xf32> to vector<128xi32>
      %swap3A_599 = arith.constant 0 : index
      %swap3A_600 = arith.constant 19 : index
      %swap3A_601 = vector.load %arg10[%swap3A_599, %swap3A_600] : memref<128x32xi32, #tpu.memory_space<vmem>>, vector<128x1xi32>
      %swap3A_602 = vector.shape_cast %swap3A_601 : vector<128x1xi32> to vector<128xi32>
      %swap3A_603 = vector.shape_cast %convert_element_type3A_598 : vector<128xi32> to vector<128x1xi32>
      tpu.vector_store %arg10[%swap3A_599, %swap3A_600], %swap3A_603 {strides = array<i32>} : memref<128x32xi32, #tpu.memory_space<vmem>>, vector<128x1xi32>,
    } else {
    }
    %ge3A_532 = arith.constant 2.100000e+01 : f32
    %ge3A_533 = arith.cmpf oge, %reduce_max3A_337, %ge3A_532 : f32
    %convert_element_type3A_534 = arith.extui %ge3A_533 : i1 to i32
    %cond3A_535 = arith.constant 0 : i32
    %cond3A_536 = arith.cmpi ne, %convert_element_type3A_534, %cond3A_535 : i32
    scf.if %cond3A_536 {
      %eq3A = arith.constant 2.100000e+01 : f32
      %eq3A_592 = vector.broadcast %eq3A : f32 to vector<128x4096xf32>
      %eq3A_593 = arith.cmpf oeq, %select_n3A_311, %eq3A_592 : vector<128x4096xf32>
      %jit3A_594 = arith.constant 0.000000e+00 : f32
      %broadcast_in_dim3A_595 = vector.broadcast %jit3A_594 : f32 to vector<128x4096xf32>
      %select_n3A_596 = arith.select %eq3A_593, %add3A_343, %broadcast_in_dim3A_595 : vector<128x4096xi1>, vector<128x4096xf32>
      %reduce_sum3A = arith.constant dense<0.000000e+00> : vector<128xf32>
      %reduce_sum3A_597 = vector.multi_reduction <add>, %select_n3A_596, %reduce_sum3A [1] : vector<128x4096xf32> to vector<128xf32>
      %convert_element_type3A_598 = arith.fptosi %reduce_sum3A_597 : vector<128xf32> to vector<128xi32>
      %swap3A_599 = arith.constant 0 : index
      %swap3A_600 = arith.constant 20 : index
      %swap3A_601 = vector.load %arg10[%swap3A_599, %swap3A_600] : memref<128x32xi32, #tpu.memory_space<vmem>>, vector<128x1xi32>
      %swap3A_602 = vector.shape_cast %swap3A_601 : vector<128x1xi32> to vector<128xi32>
      %swap3A_603 = vector.shape_cast %convert_element_type3A_598 : vector<128xi32> to vector<128x1xi32>
      tpu.vector_store %arg10[%swap3A_599, %swap3A_600], %swap3A_603 {strides = array<i32>} : memref<128x32xi32, #tpu.memory_space<vmem>>, vector<128x1xi32>,
    } else {
    }
    %ge3A_537 = arith.constant 2.200000e+01 : f32
    %ge3A_538 = arith.cmpf oge, %reduce_max3A_337, %ge3A_537 : f32
    %convert_element_type3A_539 = arith.extui %ge3A_538 : i1 to i32
    %cond3A_540 = arith.constant 0 : i32
    %cond3A_541 = arith.cmpi ne, %convert_element_type3A_539, %cond3A_540 : i32
    scf.if %cond3A_541 {
      %eq3A = arith.constant 2.200000e+01 : f32
      %eq3A_592 = vector.broadcast %eq3A : f32 to vector<128x4096xf32>
      %eq3A_593 = arith.cmpf oeq, %select_n3A_311, %eq3A_592 : vector<128x4096xf32>
      %jit3A_594 = arith.constant 0.000000e+00 : f32
      %broadcast_in_dim3A_595 = vector.broadcast %jit3A_594 : f32 to vector<128x4096xf32>
      %select_n3A_596 = arith.select %eq3A_593, %add3A_343, %broadcast_in_dim3A_595 : vector<128x4096xi1>, vector<128x4096xf32>
      %reduce_sum3A = arith.constant dense<0.000000e+00> : vector<128xf32>
      %reduce_sum3A_597 = vector.multi_reduction <add>, %select_n3A_596, %reduce_sum3A [1] : vector<128x4096xf32> to vector<128xf32>
      %convert_element_type3A_598 = arith.fptosi %reduce_sum3A_597 : vector<128xf32> to vector<128xi32>
      %swap3A_599 = arith.constant 0 : index
      %swap3A_600 = arith.constant 21 : index
      %swap3A_601 = vector.load %arg10[%swap3A_599, %swap3A_600] : memref<128x32xi32, #tpu.memory_space<vmem>>, vector<128x1xi32>
      %swap3A_602 = vector.shape_cast %swap3A_601 : vector<128x1xi32> to vector<128xi32>
      %swap3A_603 = vector.shape_cast %convert_element_type3A_598 : vector<128xi32> to vector<128x1xi32>
      tpu.vector_store %arg10[%swap3A_599, %swap3A_600], %swap3A_603 {strides = array<i32>} : memref<128x32xi32, #tpu.memory_space<vmem>>, vector<128x1xi32>,
    } else {
    }
    %ge3A_542 = arith.constant 2.300000e+01 : f32
    %ge3A_543 = arith.cmpf oge, %reduce_max3A_337, %ge3A_542 : f32
    %convert_element_type3A_544 = arith.extui %ge3A_543 : i1 to i32
    %cond3A_545 = arith.constant 0 : i32
    %cond3A_546 = arith.cmpi ne, %convert_element_type3A_544, %cond3A_545 : i32
    scf.if %cond3A_546 {
      %eq3A = arith.constant 2.300000e+01 : f32
      %eq3A_592 = vector.broadcast %eq3A : f32 to vector<128x4096xf32>
      %eq3A_593 = arith.cmpf oeq, %select_n3A_311, %eq3A_592 : vector<128x4096xf32>
      %jit3A_594 = arith.constant 0.000000e+00 : f32
      %broadcast_in_dim3A_595 = vector.broadcast %jit3A_594 : f32 to vector<128x4096xf32>
      %select_n3A_596 = arith.select %eq3A_593, %add3A_343, %broadcast_in_dim3A_595 : vector<128x4096xi1>, vector<128x4096xf32>
      %reduce_sum3A = arith.constant dense<0.000000e+00> : vector<128xf32>
      %reduce_sum3A_597 = vector.multi_reduction <add>, %select_n3A_596, %reduce_sum3A [1] : vector<128x4096xf32> to vector<128xf32>
      %convert_element_type3A_598 = arith.fptosi %reduce_sum3A_597 : vector<128xf32> to vector<128xi32>
      %swap3A_599 = arith.constant 0 : index
      %swap3A_600 = arith.constant 22 : index
      %swap3A_601 = vector.load %arg10[%swap3A_599, %swap3A_600] : memref<128x32xi32, #tpu.memory_space<vmem>>, vector<128x1xi32>
      %swap3A_602 = vector.shape_cast %swap3A_601 : vector<128x1xi32> to vector<128xi32>
      %swap3A_603 = vector.shape_cast %convert_element_type3A_598 : vector<128xi32> to vector<128x1xi32>
      tpu.vector_store %arg10[%swap3A_599, %swap3A_600], %swap3A_603 {strides = array<i32>} : memref<128x32xi32, #tpu.memory_space<vmem>>, vector<128x1xi32>,
    } else {
    }
    %ge3A_547 = arith.constant 2.400000e+01 : f32
    %ge3A_548 = arith.cmpf oge, %reduce_max3A_337, %ge3A_547 : f32
    %convert_element_type3A_549 = arith.extui %ge3A_548 : i1 to i32
    %cond3A_550 = arith.constant 0 : i32
    %cond3A_551 = arith.cmpi ne, %convert_element_type3A_549, %cond3A_550 : i32
    scf.if %cond3A_551 {
      %eq3A = arith.constant 2.400000e+01 : f32
      %eq3A_592 = vector.broadcast %eq3A : f32 to vector<128x4096xf32>
      %eq3A_593 = arith.cmpf oeq, %select_n3A_311, %eq3A_592 : vector<128x4096xf32>
      %jit3A_594 = arith.constant 0.000000e+00 : f32
      %broadcast_in_dim3A_595 = vector.broadcast %jit3A_594 : f32 to vector<128x4096xf32>
      %select_n3A_596 = arith.select %eq3A_593, %add3A_343, %broadcast_in_dim3A_595 : vector<128x4096xi1>, vector<128x4096xf32>
      %reduce_sum3A = arith.constant dense<0.000000e+00> : vector<128xf32>
      %reduce_sum3A_597 = vector.multi_reduction <add>, %select_n3A_596, %reduce_sum3A [1] : vector<128x4096xf32> to vector<128xf32>
      %convert_element_type3A_598 = arith.fptosi %reduce_sum3A_597 : vector<128xf32> to vector<128xi32>
      %swap3A_599 = arith.constant 0 : index
      %swap3A_600 = arith.constant 23 : index
      %swap3A_601 = vector.load %arg10[%swap3A_599, %swap3A_600] : memref<128x32xi32, #tpu.memory_space<vmem>>, vector<128x1xi32>
      %swap3A_602 = vector.shape_cast %swap3A_601 : vector<128x1xi32> to vector<128xi32>
      %swap3A_603 = vector.shape_cast %convert_element_type3A_598 : vector<128xi32> to vector<128x1xi32>
      tpu.vector_store %arg10[%swap3A_599, %swap3A_600], %swap3A_603 {strides = array<i32>} : memref<128x32xi32, #tpu.memory_space<vmem>>, vector<128x1xi32>,
    } else {
    }
    %ge3A_552 = arith.constant 2.500000e+01 : f32
    %ge3A_553 = arith.cmpf oge, %reduce_max3A_337, %ge3A_552 : f32
    %convert_element_type3A_554 = arith.extui %ge3A_553 : i1 to i32
    %cond3A_555 = arith.constant 0 : i32
    %cond3A_556 = arith.cmpi ne, %convert_element_type3A_554, %cond3A_555 : i32
    scf.if %cond3A_556 {
      %eq3A = arith.constant 2.500000e+01 : f32
      %eq3A_592 = vector.broadcast %eq3A : f32 to vector<128x4096xf32>
      %eq3A_593 = arith.cmpf oeq, %select_n3A_311, %eq3A_592 : vector<128x4096xf32>
      %jit3A_594 = arith.constant 0.000000e+00 : f32
      %broadcast_in_dim3A_595 = vector.broadcast %jit3A_594 : f32 to vector<128x4096xf32>
      %select_n3A_596 = arith.select %eq3A_593, %add3A_343, %broadcast_in_dim3A_595 : vector<128x4096xi1>, vector<128x4096xf32>
      %reduce_sum3A = arith.constant dense<0.000000e+00> : vector<128xf32>
      %reduce_sum3A_597 = vector.multi_reduction <add>, %select_n3A_596, %reduce_sum3A [1] : vector<128x4096xf32> to vector<128xf32>
      %convert_element_type3A_598 = arith.fptosi %reduce_sum3A_597 : vector<128xf32> to vector<128xi32>
      %swap3A_599 = arith.constant 0 : index
      %swap3A_600 = arith.constant 24 : index
      %swap3A_601 = vector.load %arg10[%swap3A_599, %swap3A_600] : memref<128x32xi32, #tpu.memory_space<vmem>>, vector<128x1xi32>
      %swap3A_602 = vector.shape_cast %swap3A_601 : vector<128x1xi32> to vector<128xi32>
      %swap3A_603 = vector.shape_cast %convert_element_type3A_598 : vector<128xi32> to vector<128x1xi32>
      tpu.vector_store %arg10[%swap3A_599, %swap3A_600], %swap3A_603 {strides = array<i32>} : memref<128x32xi32, #tpu.memory_space<vmem>>, vector<128x1xi32>,
    } else {
    }
    %ge3A_557 = arith.constant 2.600000e+01 : f32
    %ge3A_558 = arith.cmpf oge, %reduce_max3A_337, %ge3A_557 : f32
    %convert_element_type3A_559 = arith.extui %ge3A_558 : i1 to i32
    %cond3A_560 = arith.constant 0 : i32
    %cond3A_561 = arith.cmpi ne, %convert_element_type3A_559, %cond3A_560 : i32
    scf.if %cond3A_561 {
      %eq3A = arith.constant 2.600000e+01 : f32
      %eq3A_592 = vector.broadcast %eq3A : f32 to vector<128x4096xf32>
      %eq3A_593 = arith.cmpf oeq, %select_n3A_311, %eq3A_592 : vector<128x4096xf32>
      %jit3A_594 = arith.constant 0.000000e+00 : f32
      %broadcast_in_dim3A_595 = vector.broadcast %jit3A_594 : f32 to vector<128x4096xf32>
      %select_n3A_596 = arith.select %eq3A_593, %add3A_343, %broadcast_in_dim3A_595 : vector<128x4096xi1>, vector<128x4096xf32>
      %reduce_sum3A = arith.constant dense<0.000000e+00> : vector<128xf32>
      %reduce_sum3A_597 = vector.multi_reduction <add>, %select_n3A_596, %reduce_sum3A [1] : vector<128x4096xf32> to vector<128xf32>
      %convert_element_type3A_598 = arith.fptosi %reduce_sum3A_597 : vector<128xf32> to vector<128xi32>
      %swap3A_599 = arith.constant 0 : index
      %swap3A_600 = arith.constant 25 : index
      %swap3A_601 = vector.load %arg10[%swap3A_599, %swap3A_600] : memref<128x32xi32, #tpu.memory_space<vmem>>, vector<128x1xi32>
      %swap3A_602 = vector.shape_cast %swap3A_601 : vector<128x1xi32> to vector<128xi32>
      %swap3A_603 = vector.shape_cast %convert_element_type3A_598 : vector<128xi32> to vector<128x1xi32>
      tpu.vector_store %arg10[%swap3A_599, %swap3A_600], %swap3A_603 {strides = array<i32>} : memref<128x32xi32, #tpu.memory_space<vmem>>, vector<128x1xi32>,
    } else {
    }
    %ge3A_562 = arith.constant 2.700000e+01 : f32
    %ge3A_563 = arith.cmpf oge, %reduce_max3A_337, %ge3A_562 : f32
    %convert_element_type3A_564 = arith.extui %ge3A_563 : i1 to i32
    %cond3A_565 = arith.constant 0 : i32
    %cond3A_566 = arith.cmpi ne, %convert_element_type3A_564, %cond3A_565 : i32
    scf.if %cond3A_566 {
      %eq3A = arith.constant 2.700000e+01 : f32
      %eq3A_592 = vector.broadcast %eq3A : f32 to vector<128x4096xf32>
      %eq3A_593 = arith.cmpf oeq, %select_n3A_311, %eq3A_592 : vector<128x4096xf32>
      %jit3A_594 = arith.constant 0.000000e+00 : f32
      %broadcast_in_dim3A_595 = vector.broadcast %jit3A_594 : f32 to vector<128x4096xf32>
      %select_n3A_596 = arith.select %eq3A_593, %add3A_343, %broadcast_in_dim3A_595 : vector<128x4096xi1>, vector<128x4096xf32>
      %reduce_sum3A = arith.constant dense<0.000000e+00> : vector<128xf32>
      %reduce_sum3A_597 = vector.multi_reduction <add>, %select_n3A_596, %reduce_sum3A [1] : vector<128x4096xf32> to vector<128xf32>
      %convert_element_type3A_598 = arith.fptosi %reduce_sum3A_597 : vector<128xf32> to vector<128xi32>
      %swap3A_599 = arith.constant 0 : index
      %swap3A_600 = arith.constant 26 : index
      %swap3A_601 = vector.load %arg10[%swap3A_599, %swap3A_600] : memref<128x32xi32, #tpu.memory_space<vmem>>, vector<128x1xi32>
      %swap3A_602 = vector.shape_cast %swap3A_601 : vector<128x1xi32> to vector<128xi32>
      %swap3A_603 = vector.shape_cast %convert_element_type3A_598 : vector<128xi32> to vector<128x1xi32>
      tpu.vector_store %arg10[%swap3A_599, %swap3A_600], %swap3A_603 {strides = array<i32>} : memref<128x32xi32, #tpu.memory_space<vmem>>, vector<128x1xi32>,
    } else {
    }
    %ge3A_567 = arith.constant 2.800000e+01 : f32
    %ge3A_568 = arith.cmpf oge, %reduce_max3A_337, %ge3A_567 : f32
    %convert_element_type3A_569 = arith.extui %ge3A_568 : i1 to i32
    %cond3A_570 = arith.constant 0 : i32
    %cond3A_571 = arith.cmpi ne, %convert_element_type3A_569, %cond3A_570 : i32
    scf.if %cond3A_571 {
      %eq3A = arith.constant 2.800000e+01 : f32
      %eq3A_592 = vector.broadcast %eq3A : f32 to vector<128x4096xf32>
      %eq3A_593 = arith.cmpf oeq, %select_n3A_311, %eq3A_592 : vector<128x4096xf32>
      %jit3A_594 = arith.constant 0.000000e+00 : f32
      %broadcast_in_dim3A_595 = vector.broadcast %jit3A_594 : f32 to vector<128x4096xf32>
      %select_n3A_596 = arith.select %eq3A_593, %add3A_343, %broadcast_in_dim3A_595 : vector<128x4096xi1>, vector<128x4096xf32>
      %reduce_sum3A = arith.constant dense<0.000000e+00> : vector<128xf32>
      %reduce_sum3A_597 = vector.multi_reduction <add>, %select_n3A_596, %reduce_sum3A [1] : vector<128x4096xf32> to vector<128xf32>
      %convert_element_type3A_598 = arith.fptosi %reduce_sum3A_597 : vector<128xf32> to vector<128xi32>
      %swap3A_599 = arith.constant 0 : index
      %swap3A_600 = arith.constant 27 : index
      %swap3A_601 = vector.load %arg10[%swap3A_599, %swap3A_600] : memref<128x32xi32, #tpu.memory_space<vmem>>, vector<128x1xi32>
      %swap3A_602 = vector.shape_cast %swap3A_601 : vector<128x1xi32> to vector<128xi32>
      %swap3A_603 = vector.shape_cast %convert_element_type3A_598 : vector<128xi32> to vector<128x1xi32>
      tpu.vector_store %arg10[%swap3A_599, %swap3A_600], %swap3A_603 {strides = array<i32>} : memref<128x32xi32, #tpu.memory_space<vmem>>, vector<128x1xi32>,
    } else {
    }
    %ge3A_572 = arith.constant 2.900000e+01 : f32
    %ge3A_573 = arith.cmpf oge, %reduce_max3A_337, %ge3A_572 : f32
    %convert_element_type3A_574 = arith.extui %ge3A_573 : i1 to i32
    %cond3A_575 = arith.constant 0 : i32
    %cond3A_576 = arith.cmpi ne, %convert_element_type3A_574, %cond3A_575 : i32
    scf.if %cond3A_576 {
      %eq3A = arith.constant 2.900000e+01 : f32
      %eq3A_592 = vector.broadcast %eq3A : f32 to vector<128x4096xf32>
      %eq3A_593 = arith.cmpf oeq, %select_n3A_311, %eq3A_592 : vector<128x4096xf32>
      %jit3A_594 = arith.constant 0.000000e+00 : f32
      %broadcast_in_dim3A_595 = vector.broadcast %jit3A_594 : f32 to vector<128x4096xf32>
      %select_n3A_596 = arith.select %eq3A_593, %add3A_343, %broadcast_in_dim3A_595 : vector<128x4096xi1>, vector<128x4096xf32>
      %reduce_sum3A = arith.constant dense<0.000000e+00> : vector<128xf32>
      %reduce_sum3A_597 = vector.multi_reduction <add>, %select_n3A_596, %reduce_sum3A [1] : vector<128x4096xf32> to vector<128xf32>
      %convert_element_type3A_598 = arith.fptosi %reduce_sum3A_597 : vector<128xf32> to vector<128xi32>
      %swap3A_599 = arith.constant 0 : index
      %swap3A_600 = arith.constant 28 : index
      %swap3A_601 = vector.load %arg10[%swap3A_599, %swap3A_600] : memref<128x32xi32, #tpu.memory_space<vmem>>, vector<128x1xi32>
      %swap3A_602 = vector.shape_cast %swap3A_601 : vector<128x1xi32> to vector<128xi32>
      %swap3A_603 = vector.shape_cast %convert_element_type3A_598 : vector<128xi32> to vector<128x1xi32>
      tpu.vector_store %arg10[%swap3A_599, %swap3A_600], %swap3A_603 {strides = array<i32>} : memref<128x32xi32, #tpu.memory_space<vmem>>, vector<128x1xi32>,
    } else {
    }
    %ge3A_577 = arith.constant 3.000000e+01 : f32
    %ge3A_578 = arith.cmpf oge, %reduce_max3A_337, %ge3A_577 : f32
    %convert_element_type3A_579 = arith.extui %ge3A_578 : i1 to i32
    %cond3A_580 = arith.constant 0 : i32
    %cond3A_581 = arith.cmpi ne, %convert_element_type3A_579, %cond3A_580 : i32
    scf.if %cond3A_581 {
      %eq3A = arith.constant 3.000000e+01 : f32
      %eq3A_592 = vector.broadcast %eq3A : f32 to vector<128x4096xf32>
      %eq3A_593 = arith.cmpf oeq, %select_n3A_311, %eq3A_592 : vector<128x4096xf32>
      %jit3A_594 = arith.constant 0.000000e+00 : f32
      %broadcast_in_dim3A_595 = vector.broadcast %jit3A_594 : f32 to vector<128x4096xf32>
      %select_n3A_596 = arith.select %eq3A_593, %add3A_343, %broadcast_in_dim3A_595 : vector<128x4096xi1>, vector<128x4096xf32>
      %reduce_sum3A = arith.constant dense<0.000000e+00> : vector<128xf32>
      %reduce_sum3A_597 = vector.multi_reduction <add>, %select_n3A_596, %reduce_sum3A [1] : vector<128x4096xf32> to vector<128xf32>
      %convert_element_type3A_598 = arith.fptosi %reduce_sum3A_597 : vector<128xf32> to vector<128xi32>
      %swap3A_599 = arith.constant 0 : index
      %swap3A_600 = arith.constant 29 : index
      %swap3A_601 = vector.load %arg10[%swap3A_599, %swap3A_600] : memref<128x32xi32, #tpu.memory_space<vmem>>, vector<128x1xi32>
      %swap3A_602 = vector.shape_cast %swap3A_601 : vector<128x1xi32> to vector<128xi32>
      %swap3A_603 = vector.shape_cast %convert_element_type3A_598 : vector<128xi32> to vector<128x1xi32>
      tpu.vector_store %arg10[%swap3A_599, %swap3A_600], %swap3A_603 {strides = array<i32>} : memref<128x32xi32, #tpu.memory_space<vmem>>, vector<128x1xi32>,
    } else {
    }
    %ge3A_582 = arith.constant 3.100000e+01 : f32
    %ge3A_583 = arith.cmpf oge, %reduce_max3A_337, %ge3A_582 : f32
    %convert_element_type3A_584 = arith.extui %ge3A_583 : i1 to i32
    %cond3A_585 = arith.constant 0 : i32
    %cond3A_586 = arith.cmpi ne, %convert_element_type3A_584, %cond3A_585 : i32
    scf.if %cond3A_586 {
      %eq3A = arith.constant 3.100000e+01 : f32
      %eq3A_592 = vector.broadcast %eq3A : f32 to vector<128x4096xf32>
      %eq3A_593 = arith.cmpf oeq, %select_n3A_311, %eq3A_592 : vector<128x4096xf32>
      %jit3A_594 = arith.constant 0.000000e+00 : f32
      %broadcast_in_dim3A_595 = vector.broadcast %jit3A_594 : f32 to vector<128x4096xf32>
      %select_n3A_596 = arith.select %eq3A_593, %add3A_343, %broadcast_in_dim3A_595 : vector<128x4096xi1>, vector<128x4096xf32>
      %reduce_sum3A = arith.constant dense<0.000000e+00> : vector<128xf32>
      %reduce_sum3A_597 = vector.multi_reduction <add>, %select_n3A_596, %reduce_sum3A [1] : vector<128x4096xf32> to vector<128xf32>
      %convert_element_type3A_598 = arith.fptosi %reduce_sum3A_597 : vector<128xf32> to vector<128xi32>
      %swap3A_599 = arith.constant 0 : index
      %swap3A_600 = arith.constant 30 : index
      %swap3A_601 = vector.load %arg10[%swap3A_599, %swap3A_600] : memref<128x32xi32, #tpu.memory_space<vmem>>, vector<128x1xi32>
      %swap3A_602 = vector.shape_cast %swap3A_601 : vector<128x1xi32> to vector<128xi32>
      %swap3A_603 = vector.shape_cast %convert_element_type3A_598 : vector<128xi32> to vector<128x1xi32>
      tpu.vector_store %arg10[%swap3A_599, %swap3A_600], %swap3A_603 {strides = array<i32>} : memref<128x32xi32, #tpu.memory_space<vmem>>, vector<128x1xi32>,
    } else {
    }
    %ge3A_587 = arith.constant 3.200000e+01 : f32
    %ge3A_588 = arith.cmpf oge, %reduce_max3A_337, %ge3A_587 : f32
    %convert_element_type3A_589 = arith.extui %ge3A_588 : i1 to i32
    %cond3A_590 = arith.constant 0 : i32
    %cond3A_591 = arith.cmpi ne, %convert_element_type3A_589, %cond3A_590 : i32
    scf.if %cond3A_591 {
      %eq3A = arith.constant 3.200000e+01 : f32
      %eq3A_592 = vector.broadcast %eq3A : f32 to vector<128x4096xf32>
      %eq3A_593 = arith.cmpf oeq, %select_n3A_311, %eq3A_592 : vector<128x4096xf32>
      %jit3A_594 = arith.constant 0.000000e+00 : f32
      %broadcast_in_dim3A_595 = vector.broadcast %jit3A_594 : f32 to vector<128x4096xf32>
      %select_n3A_596 = arith.select %eq3A_593, %add3A_343, %broadcast_in_dim3A_595 : vector<128x4096xi1>, vector<128x4096xf32>
      %reduce_sum3A = arith.constant dense<0.000000e+00> : vector<128xf32>
      %reduce_sum3A_597 = vector.multi_reduction <add>, %select_n3A_596, %reduce_sum3A [1] : vector<128x4096xf32> to vector<128xf32>
      %convert_element_type3A_598 = arith.fptosi %reduce_sum3A_597 : vector<128xf32> to vector<128xi32>
      %swap3A_599 = arith.constant 0 : index
      %swap3A_600 = arith.constant 31 : index
      %swap3A_601 = vector.load %arg10[%swap3A_599, %swap3A_600] : memref<128x32xi32, #tpu.memory_space<vmem>>, vector<128x1xi32>
      %swap3A_602 = vector.shape_cast %swap3A_601 : vector<128x1xi32> to vector<128xi32>
      %swap3A_603 = vector.shape_cast %convert_element_type3A_598 : vector<128xi32> to vector<128x1xi32>
      tpu.vector_store %arg10[%swap3A_599, %swap3A_600], %swap3A_603 {strides = array<i32>} : memref<128x32xi32, #tpu.memory_space<vmem>>, vector<128x1xi32>,
    } else {
    }
    return
  }
  func.func @transform_0(%arg0: i32) -> (i32, i32) {
    %c0_i32 = arith.constant 0 : i32
    %c0_i32_0 = arith.constant 0 : i32
    return %arg0, %c0_i32 : i32, i32
  }
  func.func @transform_1(%arg0: i32) -> (i32, i32) {
    %jit3A = arith.constant 16 : i32
    %div3A = arith.divsi %arg0, %jit3A : i32
    %sign3A = arith.constant 0 : i32
    %sign3A_0 = arith.cmpi sgt, %arg0, %sign3A : i32
    %sign3A_1 = arith.extui %sign3A_0 : i1 to i32
    %sign3A_2 = arith.constant 0 : i32
    %sign3A_3 = arith.cmpi slt, %arg0, %sign3A_2 : i32
    %sign3A_4 = arith.extui %sign3A_3 : i1 to i32
    %sign3A_5 = arith.subi %sign3A_1, %sign3A_4 : i32
    %sign3A_6 = arith.constant 0 : i32
    %sign3A_7 = arith.cmpi sgt, %jit3A, %sign3A_6 : i32
    %sign3A_8 = arith.extui %sign3A_7 : i1 to i32
    %sign3A_9 = arith.constant 0 : i32
    %sign3A_10 = arith.cmpi slt, %jit3A, %sign3A_9 : i32
    %sign3A_11 = arith.extui %sign3A_10 : i1 to i32
    %sign3A_12 = arith.subi %sign3A_8, %sign3A_11 : i32
    %ne3A = arith.cmpi ne, %sign3A_5, %sign3A_12 : i32
    %rem3A = arith.remsi %arg0, %jit3A : i32
    %ne3A_13 = arith.constant 0 : i32
    %ne3A_14 = arith.cmpi ne, %rem3A, %ne3A_13 : i32
    %and3A = arith.andi %ne3A, %ne3A_14 : i1
    %sub3A = arith.constant 1 : i32
    %sub3A_15 = arith.subi %div3A, %sub3A : i32
    %select_n3A = arith.select %and3A, %sub3A_15, %div3A : i32
    %c0_i32 = arith.constant 0 : i32
    %c0_i32_16 = arith.constant 0 : i32
    return %select_n3A, %c0_i32 : i32, i32
  }
  func.func @transform_2(%arg0: i32) -> (i32, i32) {
    %c0_i32 = arith.constant 0 : i32
    %c0_i32_0 = arith.constant 0 : i32
    return %arg0, %c0_i32 : i32, i32
  }
  func.func @transform_3(%arg0: i32) -> (i32, i32) {
    %c0_i32 = arith.constant 0 : i32
    %c0_i32_0 = arith.constant 0 : i32
    return %arg0, %c0_i32 : i32, i32
  }
  func.func @transform_4(%arg0: i32) -> (i32, i32) {
    %c0_i32 = arith.constant 0 : i32
    %c0_i32_0 = arith.constant 0 : i32
    %c0_i32_1 = arith.constant 0 : i32
    return %c0_i32, %c0_i32_0 : i32, i32
  }
  func.func @transform_5(%arg0: i32) -> (i32, i32) {
    %c0_i32 = arith.constant 0 : i32
    %c0_i32_0 = arith.constant 0 : i32
    %c0_i32_1 = arith.constant 0 : i32
    return %c0_i32, %c0_i32_0 : i32, i32
  }
  func.func @transform_6(%arg0: i32) -> (i32, i32) {
    %c0_i32 = arith.constant 0 : i32
    %c0_i32_0 = arith.constant 0 : i32
    %c0_i32_1 = arith.constant 0 : i32
    return %c0_i32, %c0_i32_0 : i32, i32
  }
  func.func @transform_7(%arg0: i32) -> (i32, i32) {
    %c0_i32 = arith.constant 0 : i32
    %c0_i32_0 = arith.constant 0 : i32
    %c0_i32_1 = arith.constant 0 : i32
    return %c0_i32, %c0_i32_0 : i32, i32
  }
  func.func @transform_8(%arg0: i32) -> (i32, i32) {
    %c0_i32 = arith.constant 0 : i32
    %c0_i32_0 = arith.constant 0 : i32
    return %arg0, %c0_i32 : i32, i32
  }
  func.func @transform_9(%arg0: i32) -> (i32, i32) {
    %c0_i32 = arith.constant 0 : i32
    %c0_i32_0 = arith.constant 0 : i32
    return %arg0, %c0_i32 : i32, i32
  }
  func.func @transform_10(%arg0: i32) -> (i32, i32) {
    %c0_i32 = arith.constant 0 : i32
    %c0_i32_0 = arith.constant 0 : i32
    return %arg0, %c0_i32 : i32, i32
  }
  func.func @transform_11(%arg0: i32) -> (i32, i32) {
    %c0_i32 = arith.constant 0 : i32
    %c0_i32_0 = arith.constant 0 : i32
    return %arg0, %c0_i32 : i32, i32
  }
}

module attributes {stable_mosaic.version = 14 : i64} {
  func.func @_mlp_kernel(%arg0: i32, %arg1: memref<128x4xi32, #tpu.memory_space<vmem>>, %arg2: memref<2048x128xf32, #tpu.memory_space<vmem>>, %arg3: memref<4096x128xf32, #tpu.memory_space<vmem>>, %arg4: memref<19x16xf32, #tpu.memory_space<vmem>>, %arg5: memref<19x16xf32, #tpu.memory_space<vmem>>, %arg6: memref<16x16xf32, #tpu.memory_space<vmem>>, %arg7: memref<1x16xf32, #tpu.memory_space<vmem>>, %arg8: memref<16x32xf32, #tpu.memory_space<vmem>>, %arg9: memref<1x32xf32, #tpu.memory_space<vmem>>, %arg10: memref<128x8xi32, #tpu.memory_space<vmem>>, %arg11: memref<128x48xf32, #tpu.memory_space<vmem>>) attributes {dimension_semantics = [#tpu.dimension_semantics<arbitrary>], iteration_bounds = array<i64: 32>, scalar_prefetch = 0 : i64, scratch_operands = 0 : i64, tpu.core_type = #tpu.core_type<tc>, window_params = [{transform_indices = @transform_0, window_bounds = array<i64: 128, 4>}, {transform_indices = @transform_1, window_bounds = array<i64: 2048, 128>}, {transform_indices = @transform_2, window_bounds = array<i64: 4096, 128>}, {pipeline_mode = #tpu.pipeline_mode<synchronous>, transform_indices = @transform_3, window_bounds = array<i64: 19, 16>}, {pipeline_mode = #tpu.pipeline_mode<synchronous>, transform_indices = @transform_4, window_bounds = array<i64: 19, 16>}, {pipeline_mode = #tpu.pipeline_mode<synchronous>, transform_indices = @transform_5, window_bounds = array<i64: 16, 16>}, {pipeline_mode = #tpu.pipeline_mode<synchronous>, transform_indices = @transform_6, window_bounds = array<i64: 1, 16>}, {pipeline_mode = #tpu.pipeline_mode<synchronous>, transform_indices = @transform_7, window_bounds = array<i64: 16, 32>}, {pipeline_mode = #tpu.pipeline_mode<synchronous>, transform_indices = @transform_8, window_bounds = array<i64: 1, 32>}, {transform_indices = @transform_9, window_bounds = array<i64: 128, 8>}, {transform_indices = @transform_10, window_bounds = array<i64: 128, 48>}]} {
    %get3A = arith.constant 0 : index
    %get3A_0 = arith.constant 0 : index
    %get3A_1 = vector.load %arg1[%get3A, %get3A_0] : memref<128x4xi32, #tpu.memory_space<vmem>>, vector<128x4xi32>
    %convert_element_type3A = arith.sitofp %get3A_1 : vector<128x4xi32> to vector<128x4xf32>
    %slice3A = vector.extract_strided_slice %convert_element_type3A {offsets = [0, 3], sizes = [128, 1], strides = [1, 1]} : vector<128x4xf32> to vector<128x1xf32>
    %squeeze3A = vector.shape_cast %slice3A : vector<128x1xf32> to vector<128xf32>
    %add3A = arith.constant 5.000000e-01 : f32
    %add3A_2 = vector.broadcast %add3A : f32 to vector<128xf32>
    %add3A_3 = arith.addf %squeeze3A, %add3A_2 : vector<128xf32>
    %mul3A = arith.constant 1.000000e-01 : f32
    %mul3A_4 = vector.broadcast %mul3A : f32 to vector<128xf32>
    %mul3A_5 = arith.mulf %add3A_3, %mul3A_4 : vector<128xf32>
    %add3A_6 = arith.constant 0.000000e+00 : f32
    %add3A_7 = vector.broadcast %add3A_6 : f32 to vector<128xf32>
    %add3A_8 = arith.addf %mul3A_5, %add3A_7 : vector<128xf32>
    %slice3A_9 = vector.extract_strided_slice %convert_element_type3A {offsets = [0, 2], sizes = [128, 1], strides = [1, 1]} : vector<128x4xf32> to vector<128x1xf32>
    %squeeze3A_10 = vector.shape_cast %slice3A_9 : vector<128x1xf32> to vector<128xf32>
    %add3A_11 = arith.constant 5.000000e-01 : f32
    %add3A_12 = vector.broadcast %add3A_11 : f32 to vector<128xf32>
    %add3A_13 = arith.addf %squeeze3A_10, %add3A_12 : vector<128xf32>
    %mul3A_14 = arith.constant 1.000000e-01 : f32
    %mul3A_15 = vector.broadcast %mul3A_14 : f32 to vector<128xf32>
    %mul3A_16 = arith.mulf %add3A_13, %mul3A_15 : vector<128xf32>
    %add3A_17 = arith.constant -4.000000e+01 : f32
    %add3A_18 = vector.broadcast %add3A_17 : f32 to vector<128xf32>
    %add3A_19 = arith.addf %mul3A_16, %add3A_18 : vector<128xf32>
    %slice3A_20 = vector.extract_strided_slice %convert_element_type3A {offsets = [0, 1], sizes = [128, 1], strides = [1, 1]} : vector<128x4xf32> to vector<128x1xf32>
    %squeeze3A_21 = vector.shape_cast %slice3A_20 : vector<128x1xf32> to vector<128xf32>
    %add3A_22 = arith.constant 5.000000e-01 : f32
    %add3A_23 = vector.broadcast %add3A_22 : f32 to vector<128xf32>
    %add3A_24 = arith.addf %squeeze3A_21, %add3A_23 : vector<128xf32>
    %mul3A_25 = arith.constant 2.000000e-01 : f32
    %mul3A_26 = vector.broadcast %mul3A_25 : f32 to vector<128xf32>
    %mul3A_27 = arith.mulf %add3A_24, %mul3A_26 : vector<128xf32>
    %add3A_28 = arith.constant -3.000000e+00 : f32
    %add3A_29 = vector.broadcast %add3A_28 : f32 to vector<128xf32>
    %add3A_30 = arith.addf %mul3A_27, %add3A_29 : vector<128xf32>
    %stack3A = vector.shape_cast %add3A_8 : vector<128xf32> to vector<128x1xf32>
    %stack3A_31 = vector.shape_cast %add3A_19 : vector<128xf32> to vector<128x1xf32>
    %stack3A_32 = vector.shape_cast %add3A_30 : vector<128xf32> to vector<128x1xf32>
    %stack3A_33 = tpu.concatenate %stack3A, %stack3A_31, %stack3A_32 in 1 : vector<128x1xf32>, vector<128x1xf32>, vector<128x1xf32> -> vector<128x3xf32>
    %get3A_34 = arith.constant 0 : index
    %get3A_35 = arith.constant 0 : index
    %get3A_36 = vector.load %arg4[%get3A_34, %get3A_35] : memref<19x16xf32, #tpu.memory_space<vmem>>, vector<3x16xf32>
    %dot_general3A = arith.constant dense<0.000000e+00> : vector<128x16xf32>
    %dot_general3A_37 = tpu.matmul %stack3A_33, %get3A_36, %dot_general3A {dimension_numbers = #tpu.dot_dimension_numbers<[1], [0], [0], [1], [0, 0, 1, 1], [], []>, precision = #tpu.contract_precision<fp32>, transpose_lhs_hint = false} : vector<128x3xf32>, vector<3x16xf32>, vector<128x16xf32> -> vector<128x16xf32>
    %broadcast_in_dim3A = vector.shape_cast %dot_general3A_37 : vector<128x16xf32> to vector<128x1x16xf32>
    %broadcast_in_dim3A_38 = vector.broadcast %broadcast_in_dim3A : vector<128x1x16xf32> to vector<128x16x16xf32>
    %reshape3A = vector.shape_cast %broadcast_in_dim3A_38 : vector<128x16x16xf32> to vector<2048x16xf32>
    %get3A_39 = arith.constant 0 : index
    %get3A_40 = arith.constant 0 : index
    %get3A_41 = vector.load %arg2[%get3A_39, %get3A_40] : memref<2048x128xf32, #tpu.memory_space<vmem>>, vector<2048x16xf32>
    %sub3A = arith.subf %get3A_41, %reshape3A : vector<2048x16xf32>
    %max3A = arith.constant 0.000000e+00 : f32
    %max3A_42 = vector.broadcast %max3A : f32 to vector<2048x16xf32>
    %max3A_43 = arith.maximumf %sub3A, %max3A_42 : vector<2048x16xf32>
    %get3A_44 = arith.constant 0 : index
    %get3A_45 = arith.constant 0 : index
    %get3A_46 = vector.load %arg6[%get3A_44, %get3A_45] : memref<16x16xf32, #tpu.memory_space<vmem>>, vector<16x16xf32>
    %dot_general3A_47 = arith.constant dense<0.000000e+00> : vector<2048x16xf32>
    %dot_general3A_48 = tpu.matmul %max3A_43, %get3A_46, %dot_general3A_47 {dimension_numbers = #tpu.dot_dimension_numbers<[1], [0], [0], [1], [0, 0, 1, 1], [], []>, precision = #tpu.contract_precision<fp32>, transpose_lhs_hint = false} : vector<2048x16xf32>, vector<16x16xf32>, vector<2048x16xf32> -> vector<2048x16xf32>
    %get3A_49 = arith.constant 0 : index
    %get3A_50 = arith.constant 0 : index
    %get3A_51 = vector.load %arg7[%get3A_49, %get3A_50] : memref<1x16xf32, #tpu.memory_space<vmem>>, vector<1x16xf32>
    %get3A_52 = vector.shape_cast %get3A_51 : vector<1x16xf32> to vector<16xf32>
    %broadcast_in_dim3A_53 = vector.shape_cast %get3A_52 : vector<16xf32> to vector<1x16xf32>
    %add3A_54 = vector.broadcast %broadcast_in_dim3A_53 : vector<1x16xf32> to vector<2048x16xf32>
    %add3A_55 = arith.addf %dot_general3A_48, %add3A_54 : vector<2048x16xf32>
    %max3A_56 = arith.constant 0.000000e+00 : f32
    %max3A_57 = vector.broadcast %max3A_56 : f32 to vector<2048x16xf32>
    %max3A_58 = arith.maximumf %add3A_55, %max3A_57 : vector<2048x16xf32>
    %reshape3A_59 = vector.shape_cast %max3A_58 : vector<2048x16xf32> to vector<128x16x16xf32>
    %get3A_60 = arith.constant 0 : index
    %get3A_61 = arith.constant 0 : index
    %get3A_62 = vector.load %arg10[%get3A_60, %get3A_61] : memref<128x8xi32, #tpu.memory_space<vmem>>, vector<128x1xi32>
    %get3A_63 = vector.shape_cast %get3A_62 : vector<128x1xi32> to vector<128xi32>
    %iota3A = tpu.iota {dimensions = array<i32: 1>} : vector<128x16x16xi32>
    %broadcast_in_dim3A_64 = vector.shape_cast %get3A_63 : vector<128xi32> to vector<128x1x1xi32>
    %broadcast_in_dim3A_65 = vector.broadcast %broadcast_in_dim3A_64 : vector<128x1x1xi32> to vector<128x16x16xi32>
    %lt3A = arith.cmpi slt, %iota3A, %broadcast_in_dim3A_65 : vector<128x16x16xi32>
    %jit3A = arith.constant 0.000000e+00 : f32
    %broadcast_in_dim3A_66 = vector.broadcast %jit3A : f32 to vector<128x16x16xf32>
    %select_n3A = arith.select %lt3A, %reshape3A_59, %broadcast_in_dim3A_66 : vector<128x16x16xi1>, vector<128x16x16xf32>
    %reduce_max3A = arith.constant dense<0xFF800000> : vector<128x16xf32>
    %reduce_max3A_67 = vector.multi_reduction <maximumf>, %select_n3A, %reduce_max3A [1] : vector<128x16x16xf32> to vector<128x16xf32>
    %get3A_68 = arith.constant 0 : index
    %get3A_69 = arith.constant 0 : index
    %get3A_70 = vector.load %arg5[%get3A_68, %get3A_69] : memref<19x16xf32, #tpu.memory_space<vmem>>, vector<3x16xf32>
    %dot_general3A_71 = arith.constant dense<0.000000e+00> : vector<128x16xf32>
    %dot_general3A_72 = tpu.matmul %stack3A_33, %get3A_70, %dot_general3A_71 {dimension_numbers = #tpu.dot_dimension_numbers<[1], [0], [0], [1], [0, 0, 1, 1], [], []>, precision = #tpu.contract_precision<fp32>, transpose_lhs_hint = false} : vector<128x3xf32>, vector<3x16xf32>, vector<128x16xf32> -> vector<128x16xf32>
    %broadcast_in_dim3A_73 = vector.shape_cast %dot_general3A_72 : vector<128x16xf32> to vector<128x1x16xf32>
    %broadcast_in_dim3A_74 = vector.broadcast %broadcast_in_dim3A_73 : vector<128x1x16xf32> to vector<128x32x16xf32>
    %reshape3A_75 = vector.shape_cast %broadcast_in_dim3A_74 : vector<128x32x16xf32> to vector<4096x16xf32>
    %get3A_76 = arith.constant 0 : index
    %get3A_77 = arith.constant 16 : index
    %get3A_78 = vector.load %arg3[%get3A_76, %get3A_77] : memref<4096x128xf32, #tpu.memory_space<vmem>>, vector<4096x16xf32>
    %sub3A_79 = arith.subf %get3A_78, %reshape3A_75 : vector<4096x16xf32>
    %max3A_80 = arith.constant 0.000000e+00 : f32
    %max3A_81 = vector.broadcast %max3A_80 : f32 to vector<4096x16xf32>
    %max3A_82 = arith.maximumf %sub3A_79, %max3A_81 : vector<4096x16xf32>
    %get3A_83 = arith.constant 0 : index
    %get3A_84 = arith.constant 0 : index
    %get3A_85 = vector.load %arg8[%get3A_83, %get3A_84] : memref<16x32xf32, #tpu.memory_space<vmem>>, vector<16x32xf32>
    %dot_general3A_86 = arith.constant dense<0.000000e+00> : vector<4096x32xf32>
    %dot_general3A_87 = tpu.matmul %max3A_82, %get3A_85, %dot_general3A_86 {dimension_numbers = #tpu.dot_dimension_numbers<[1], [0], [0], [1], [0, 0, 1, 1], [], []>, precision = #tpu.contract_precision<fp32>, transpose_lhs_hint = false} : vector<4096x16xf32>, vector<16x32xf32>, vector<4096x32xf32> -> vector<4096x32xf32>
    %get3A_88 = arith.constant 0 : index
    %get3A_89 = arith.constant 0 : index
    %get3A_90 = vector.load %arg9[%get3A_88, %get3A_89] : memref<1x32xf32, #tpu.memory_space<vmem>>, vector<1x32xf32>
    %get3A_91 = vector.shape_cast %get3A_90 : vector<1x32xf32> to vector<32xf32>
    %broadcast_in_dim3A_92 = vector.shape_cast %get3A_91 : vector<32xf32> to vector<1x32xf32>
    %add3A_93 = vector.broadcast %broadcast_in_dim3A_92 : vector<1x32xf32> to vector<4096x32xf32>
    %add3A_94 = arith.addf %dot_general3A_87, %add3A_93 : vector<4096x32xf32>
    %max3A_95 = arith.constant 0.000000e+00 : f32
    %max3A_96 = vector.broadcast %max3A_95 : f32 to vector<4096x32xf32>
    %max3A_97 = arith.maximumf %add3A_94, %max3A_96 : vector<4096x32xf32>
    %reshape3A_98 = vector.shape_cast %max3A_97 : vector<4096x32xf32> to vector<128x32x32xf32>
    %get3A_99 = arith.constant 0 : index
    %get3A_100 = arith.constant 1 : index
    %get3A_101 = vector.load %arg10[%get3A_99, %get3A_100] : memref<128x8xi32, #tpu.memory_space<vmem>>, vector<128x1xi32>
    %get3A_102 = vector.shape_cast %get3A_101 : vector<128x1xi32> to vector<128xi32>
    %iota3A_103 = tpu.iota {dimensions = array<i32: 1>} : vector<128x32x32xi32>
    %broadcast_in_dim3A_104 = vector.shape_cast %get3A_102 : vector<128xi32> to vector<128x1x1xi32>
    %broadcast_in_dim3A_105 = vector.broadcast %broadcast_in_dim3A_104 : vector<128x1x1xi32> to vector<128x32x32xi32>
    %lt3A_106 = arith.cmpi slt, %iota3A_103, %broadcast_in_dim3A_105 : vector<128x32x32xi32>
    %jit3A_107 = arith.constant 0.000000e+00 : f32
    %broadcast_in_dim3A_108 = vector.broadcast %jit3A_107 : f32 to vector<128x32x32xf32>
    %select_n3A_109 = arith.select %lt3A_106, %reshape3A_98, %broadcast_in_dim3A_108 : vector<128x32x32xi1>, vector<128x32x32xf32>
    %reduce_max3A_110 = arith.constant dense<0xFF800000> : vector<128x32xf32>
    %reduce_max3A_111 = vector.multi_reduction <maximumf>, %select_n3A_109, %reduce_max3A_110 [1] : vector<128x32x32xf32> to vector<128x32xf32>
    %concatenate3A = tpu.concatenate %reduce_max3A_67, %reduce_max3A_111 in 1 : vector<128x16xf32>, vector<128x32xf32> -> vector<128x48xf32>
    %swap3A = arith.constant 0 : index
    %swap3A_112 = arith.constant 0 : index
    %swap3A_113 = vector.load %arg11[%swap3A, %swap3A_112] : memref<128x48xf32, #tpu.memory_space<vmem>>, vector<128x48xf32>
    tpu.vector_store %arg11[%swap3A, %swap3A_112], %concatenate3A {strides = array<i32>} : memref<128x48xf32, #tpu.memory_space<vmem>>, vector<128x48xf32>,
    return
  }
  func.func @transform_0(%arg0: i32) -> (i32, i32) {
    %c0_i32 = arith.constant 0 : i32
    %c0_i32_0 = arith.constant 0 : i32
    return %arg0, %c0_i32 : i32, i32
  }
  func.func @transform_1(%arg0: i32) -> (i32, i32) {
    %c0_i32 = arith.constant 0 : i32
    %c0_i32_0 = arith.constant 0 : i32
    return %arg0, %c0_i32 : i32, i32
  }
  func.func @transform_2(%arg0: i32) -> (i32, i32) {
    %c0_i32 = arith.constant 0 : i32
    %c0_i32_0 = arith.constant 0 : i32
    return %arg0, %c0_i32 : i32, i32
  }
  func.func @transform_3(%arg0: i32) -> (i32, i32) {
    %c0_i32 = arith.constant 0 : i32
    %c0_i32_0 = arith.constant 0 : i32
    %c0_i32_1 = arith.constant 0 : i32
    return %c0_i32, %c0_i32_0 : i32, i32
  }
  func.func @transform_4(%arg0: i32) -> (i32, i32) {
    %c0_i32 = arith.constant 0 : i32
    %c0_i32_0 = arith.constant 0 : i32
    %c0_i32_1 = arith.constant 0 : i32
    return %c0_i32, %c0_i32_0 : i32, i32
  }
  func.func @transform_5(%arg0: i32) -> (i32, i32) {
    %c0_i32 = arith.constant 0 : i32
    %c0_i32_0 = arith.constant 0 : i32
    %c0_i32_1 = arith.constant 0 : i32
    return %c0_i32, %c0_i32_0 : i32, i32
  }
  func.func @transform_6(%arg0: i32) -> (i32, i32) {
    %c0_i32 = arith.constant 0 : i32
    %c0_i32_0 = arith.constant 0 : i32
    %c0_i32_1 = arith.constant 0 : i32
    return %c0_i32, %c0_i32_0 : i32, i32
  }
  func.func @transform_7(%arg0: i32) -> (i32, i32) {
    %c0_i32 = arith.constant 0 : i32
    %c0_i32_0 = arith.constant 0 : i32
    %c0_i32_1 = arith.constant 0 : i32
    return %c0_i32, %c0_i32_0 : i32, i32
  }
  func.func @transform_8(%arg0: i32) -> (i32, i32) {
    %c0_i32 = arith.constant 0 : i32
    %c0_i32_0 = arith.constant 0 : i32
    %c0_i32_1 = arith.constant 0 : i32
    return %c0_i32, %c0_i32_0 : i32, i32
  }
  func.func @transform_9(%arg0: i32) -> (i32, i32) {
    %c0_i32 = arith.constant 0 : i32
    %c0_i32_0 = arith.constant 0 : i32
    return %arg0, %c0_i32 : i32, i32
  }
  func.func @transform_10(%arg0: i32) -> (i32, i32) {
    %c0_i32 = arith.constant 0 : i32
    %c0_i32_0 = arith.constant 0 : i32
    return %arg0, %c0_i32 : i32, i32
  }
}

</mosaic_0001>

<sc_bundles>
// kernel: kernel.5.cloned.1.call-start
scs
__scs_entry_jumppad:
0x0: {  	(pc) =	sbr.rel $0x88, $3  }
0x1: {  	(tag) =	ssettag $0x0;
	lr =	simm.s32 $0x1  }
0x2: {  	[smem:$0x3F96] =	sst lr;
	_ =	strace $0xD0000000  }
0x3: {  	_ = 	snop  }
0x4: {  	_ = 	snop  }
0x5: {  	_ = 	snop  }
0x6: {  	_ = 	snop  }
0x7: {  	_ = 	snop  }
__scs_overlays_trampoline_lowered:
0x8: {  	[smem:$0x3FA5] =	sst s0  }
0x9: {  	[smem:$0x3FA6] =	sst s1  }
0xa: {  	[smem:$0x3FA7] =	sst s2  }
0xb: {  	[smem:$0x3FA8] =	sst s3  }
0xc: {  	[smem:$0x3FA9] =	sst s4  }
0xd: {  	[smem:$0x3FAA] =	sst s5  }
0xe: {  	[smem:$0x3FAB] =	sst s6  }
0xf: {  	[smem:$0x3FAC] =	sst s7  }
0x10: {  	[smem:$0x3FAD] =	sst s8  }
0x11: {  	[smem:$0x3FAE] =	sst s9;
	s0 =	simm.s32 @!p0 $0x0  }
0x12: {  	s1 =	sld [smem:$0x3F94];
	s0 =	simm.s32 @p0 $0x1  }
0x13: {  	[smem:$0x3FAF] =	sst s0;
	s0 =	simm.s32 @!p1 $0x0  }
0x14: {  	s2 =	sld [smem:$0x3F93];
	s0 =	simm.s32 @p1 $0x1  }
0x15: {  	[smem:$0x3FB0] =	sst s0;
	s0 =	simm.s32 @!p2 $0x0  }
0x16: {  	s3 =	sld [smem:$0x3FDB];
	s0 =	simm.s32 @p2 $0x1  }
0x17: {  	s4 =	simm.s32 $0x1BF5;
	[smem:$0x3FB2] =	sst s0  }
0x18: {  	s0 =	sld [smem:$0x3F95];
	_ =	swait.ge [sflag:s4], $0x0  }
0x19: {  	s7 =	sld [smem:$0x3F96]  }
0x1a: {  	s8 =	sadd.s32 $0xFFFFE003, lr  }
0x1b: {  	s9 =	sadd.s32 $0xFFFFFEF7, lr;
	s5 =	simm.s32 $0xFFFFFFFF;
	p2 =	slt.u32 s8, $0xFFFFF086  }
0x1c: {  	p1 =	slt.u32 s9, $0xF7A;
	s5 =	simm.s32 @!p2 $0x0  }
0x1d: {  	s5 =	simm.s32 @p1 $0x1;
	p0 =	seq.s32 s7, s2  }
0x1e: {  	s7 =	smul.u32 @!p0 $0xF7A, s2;
	p2 =	seq.s32 @!p0 s5, $0x0  }
0x1f: {  	s9 =	smul.u32 $0xF7A, s1;
	s8 =	simm.s32 @!p0 $0x1BF5;
	p2 =	por !p2, p0  }
0x20: {  	[sflag:s8] =	ssyncset.s32 @!p0 $0xFFFFF086;
	s6 =	sadd.s32 @!p0 s3, s7;
	s7 =	simm.s32 @!p0 $0x108  }
0x21: {  	s3 =	sadd.s32 s3, s9;
	s6 =	sadd.s32 @!p0 $0x88, s6;
	s7 =	simm.s32 @p2 $0x1082  }
0x22: {  	[simem:s7], [sflag:s8] =	dma.local @!p0 [hbm:s6], $0xF7A  }
0x23: {  	s9 =	sor.u32 $0xD0000000, s2;
	s6 =	simm.s32 $0x108;
	_ =	swait.ge @!p0 [sflag:s8], $0x0  }
0x24: {  	s3 =	sadd.s32 $0x88, s3;
	s6 =	simm.s32 @!p1 $0x1082;
	[sflag:s4] =	ssyncset.s32 $0xFFFFF086  }
0x25: {  	[simem:s6], [sflag:s4] =	dma.local [hbm:s3], $0xF7A  }
0x26: {  	[smem:$0x3F96] =	sst s1;
	(tag) =	ssettag s2;
	_ =	strace s9  }
0x27: {  	s1 =	sld [smem:$0x3FA6]  }
0x28: {  	s2 =	sld [smem:$0x3FA7]  }
0x29: {  	s4 =	sld [smem:$0x3FA9]  }
0x2a: {  	p0 =	seq.s32 s5, $0x0;
	s5 =	sld [smem:$0x3FAA]  }
0x2b: {  	s6 =	sld [smem:$0x3FAB]  }
0x2c: {  	s7 =	sld [smem:$0x3FAC]  }
0x2d: {  	s3 =	simm.s32 $0x108;
	s8 =	sld [smem:$0x3FAD]  }
0x2e: {  	s3 =	simm.s32 @!p0 $0x1082;
	s9 =	sld [smem:$0x3FAE]  }
0x2f: {  	lr =	sadd.s32 s0, s3;
	s0 =	sld [smem:$0x3FA5]  }
0x30: {  	s3 =	sld [smem:$0x3FA8]  }
0x31: {  	[smem:$0x3FB1] =	sst s10  }
0x32: {  	s10 =	sld [smem:$0x3FAF];
	_ =	sdelay $0x3  }
0x33: {  	p0 =	seq.s32 s10, $0x1;
	s10 =	sld [smem:$0x3FB1];
	_ =	sdelay $0x3  }
0x34: {  	[smem:$0x3FB1] =	sst s10  }
0x35: {  	s10 =	sld [smem:$0x3FB0];
	_ =	sdelay $0x3  }
0x36: {  	p1 =	seq.s32 s10, $0x1;
	s10 =	sld [smem:$0x3FB1];
	_ =	sdelay $0x3  }
0x37: {  	[smem:$0x3FB1] =	sst s10  }
0x38: {  	s10 =	sld [smem:$0x3FB2]  }
0x39: {  	_ = 	snop;
	(pc) =	sbr.ind lr, $3  }
0x3a: {  	_ = 	snop  }
0x3b: {  	_ = 	snop  }
0x3c: {  	p2 =	seq.s32 s10, $0x1;
	s10 =	sld [smem:$0x3FB1]  }
0x3d: {  	_ =	shalt  }
0x3e: {  	_ =	shalt  }
0x3f: {  	_ =	shalt  }
0x40: {  	_ =	shalt  }
0x41: {  	_ =	shalt  }
0x42: {  	_ =	shalt  }
0x43: {  	_ =	shalt  }
0x44: {  	_ =	shalt  }
0x45: {  	_ =	shalt  }
0x46: {  	_ =	shalt  }
0x47: {  	_ =	shalt  }
0x48: {  	_ =	shalt  }
0x49: {  	_ =	shalt  }
0x4a: {  	_ =	shalt  }
0x4b: {  	_ =	shalt  }
0x4c: {  	_ =	shalt  }
0x4d: {  	_ =	shalt  }
0x4e: {  	_ =	shalt  }
0x4f: {  	_ =	shalt  }
0x50: {  	_ =	shalt  }
0x51: {  	_ =	shalt  }
0x52: {  	_ =	shalt  }
0x53: {  	_ =	shalt  }
0x54: {  	_ =	shalt  }
0x55: {  	_ =	shalt  }
0x56: {  	_ =	shalt  }
0x57: {  	_ =	shalt  }
0x58: {  	_ =	shalt  }
0x59: {  	_ =	shalt  }
0x5a: {  	_ =	shalt  }
0x5b: {  	_ =	shalt  }
0x5c: {  	_ =	shalt  }
0x5d: {  	_ =	shalt  }
0x5e: {  	_ =	shalt  }
0x5f: {  	_ =	shalt  }
0x60: {  	_ =	shalt  }
0x61: {  	_ =	shalt  }
0x62: {  	_ =	shalt  }
0x63: {  	_ =	shalt  }
0x64: {  	_ =	shalt  }
0x65: {  	_ =	shalt  }
0x66: {  	_ =	shalt  }
0x67: {  	_ =	shalt  }
0x68: {  	_ =	shalt  }
0x69: {  	_ =	shalt  }
0x6a: {  	_ =	shalt  }
0x6b: {  	_ =	shalt  }
0x6c: {  	_ =	shalt  }
0x6d: {  	_ =	shalt  }
0x6e: {  	_ =	shalt  }
0x6f: {  	_ =	shalt  }
0x70: {  	_ =	shalt  }
0x71: {  	_ =	shalt  }
0x72: {  	_ =	shalt  }
0x73: {  	_ =	shalt  }
0x74: {  	_ =	shalt  }
0x75: {  	_ =	shalt  }
0x76: {  	_ =	shalt  }
0x77: {  	_ =	shalt  }
0x78: {  	_ =	shalt  }
0x79: {  	_ =	shalt  }
0x7a: {  	_ =	shalt  }
0x7b: {  	_ =	shalt  }
0x7c: {  	_ =	shalt  }
0x7d: {  	_ =	shalt  }
0x7e: {  	_ =	shalt  }
0x7f: {  	_ =	shalt  }
0x80: {  	_ =	shalt  }
0x81: {  	_ =	shalt  }
0x82: {  	_ =	shalt  }
0x83: {  	_ =	shalt  }
0x84: {  	_ =	shalt  }
0x85: {  	_ =	shalt  }
0x86: {  	_ =	shalt  }
0x87: {  	_ =	shalt  }
.Lfunc_end0:
.L_simem_size_0:
called_computation_lowered:
.L_overlay_start_0:
0x88: {  	s2 =	sld [smem:$0x3FD9]  }
0x89: {  	s3 =	sld [smem:$0x3FFE];
	_ =	sdelay $0x1  }
0x8a: {  	s1 =	srdreg.scid  }
0x8b: {  	s0 =	sand.u32 $0x1, s1  }
0x8c: {  	s17 =	sshll.u32 s0, $0xA;
	s2 =	sadd.s32 s3, s2  }
0x8d: {  	s2 =	sadd.s32 s2, s17  }
0x8e: {  	[smem:$0x3FBD] =	sst s2  }
0x8f: {  	_ = 	snop  }
0x90: {  	s2 =	sld [smem:$0x3FD0];
	(tm) =	ssettm $0x1  }
0x91: {  	s18 =	sld [smem:$0x3FFB];
	_ =	sdelay $0x3  }
0x92: {  	_ =	strace s18  }
0x93: {  	s3 =	sld [smem:$0x3FFC];
	_ =	sdelay $0x3  }
0x94: {  	_ =	strace s3  }
0x95: {  	s3 =	sld [smem:$0x3FFD];
	_ =	sdelay $0x3  }
0x96: {  	_ =	strace s3  }
0x97: {  	_ =	strace $0x8FFFFFFF  }
0x98: {  	s19 =	sld [smem:$0x3FDB];
	_ =	sdelay $0x1  }
0x99: {  	s4 =	simm.s32 $_scs_section_size  }
0x9a: {  	s5 =	simm.s32 $_size__tile_overlayer_lowered;
	s6 =	simm.s32 $_tile_overlayer_lowered  }
0x9b: {  	s22 =	simm.s32 $0x1BFF;
	s21 =	sshll.u32 s6, $0x1;
	s3 =	sadd.s32 s4, s19  }
0x9c: {  	s7 =	simm.s32 $0x0;
	s20 =	sshll.u32 s5, $0x1;
	s5 =	sadd.s32 s21, s3  }
0x9d: {  	[timem:s7], [sflag:s22] =	dma.local [hbm:s5], s20  }
0x9e: {  	_ =	swait.ge [sflag:s22], s20  }
0x9f: {  	s4 =	ssub.s32 $0x0, s20;
	[sflag:s22] =	ssyncset.done $0x0  }
0xa0: {  	[sflag:s22] =	ssyncadd.s32 s4;
	_ =	sdelay $0x1  }
0xa1: {  	s23 =	simm.s32 $0x1B8B  }
0xa2: {  	_ =	swait.ge [sflag:s23], $0x1  }
0xa3: {  	[sflag:s23] =	ssyncset.done $0x0  }
0xa4: {  	s25 =	simm.s32 $0x1B8E;
	s24 =	sld [smem:$0x3FFE];
	[sflag:s23] =	ssyncadd.s32 $0xFFFFFFFF  }
0xa5: {  	s26 =	simm.s32 $execute0_lowered;
	[smem:$0x3FD2] =	sst s25  }
0xa6: {  	s5 =	sshll.u32 s26, $0x1;
	_ =	strace $0x80000046;
	[dreg:$0x1] =	wrdreg $0xFFFFFFFF  }
0xa7: {  	s28 =	simm.s32 $_size_execute0_lowered;
	s3 =	sadd.s32 s3, s5;
	[dreg:$0x0] =	wrdreg $0x0  }
0xa8: {  	s5 =	sshll.u32 s28, $0x1;
	[dreg:$0x2] =	wrdreg s3  }
0xa9: {  	[dreg:$0x3] =	wrdreg s5  }
0xaa: {  	[dreg:$0x4] =	wrdreg $0xC0  }
0xab: {  	_ =	task [dreg:s7], $0x5FFFF  }
0xac: {  	[dreg:$0x1] =	wrdreg $0xFFFFFFFF  }
0xad: {  	[dreg:$0x0] =	wrdreg $0x60  }
0xae: {  	[dreg:$0x2] =	wrdreg s24  }
0xaf: {  	[dreg:$0x3] =	wrdreg s2  }
0xb0: {  	[dreg:$0x4] =	wrdreg $0x9  }
0xb1: {  	_ =	task.clear_ibuf [dreg:s7], $0x5FFFF;
	_ =	strace $0x90000046  }
0xb2: {  	s29 =	simm.s32 $0x9;
	_ =	strace $0x80000048  }
0xb3: {  	_ =	swait.ge [sflag:s29], $0x1  }
0xb4: {  	[sflag:s29] =	ssyncadd.s32 $0xFFFFFFFF  }
0xb5: {  	_ =	strace $0x90000048  }
0xb6: {  	_ =	sfence  }
0xb7: {  	s30 =	sld [smem:$0x0];
	_ =	sdelay $0x2  }
0xb8: {  	s31 =	sshll.u32 s1, $0xD;
	s1 =	sshrl.u32 s1, $0x2  }
0xb9: {  	s3 =	sand.u32 $0x4000, s31;
	s1 =	sadd.s32 s1, s30  }
0xba: {  	s0 =	sor.u32 s3, s0;
	s1 =	sshll.u32 s1, $0x11  }
0xbb: {  	s0 =	sor.u32 s1, s0  }
0xbc: {  	s0 =	sadd.s32 $0x8F2B, s0  }
0xbd: {  	[sflag:s0] =	ssyncadd.remote.s32 $0x1  }
0xbe: {  	_ =	sfence.sel $0xFFFF  }
0xbf: {  	[dreg:$0x0] =	wrdreg $0xFFFFFFFF;
	(pc) =	sbr.abs _section_cstart, $3  }
0xc0: {  	[dreg:$0x1] =	wrdreg $0xFFFFFFFF  }
0xc1: {  	_ =	task.clear_ibuf [dreg:s7], $0x2FFFF;
	_ =	strace $0x9FFFFFFF  }
0xc2: {  	(tm) =	ssettm $0x7FFFFFFF  }
0xc3: {  	_ =	shalt  }
tec
execute0_lowered:
.L_overlay_start_1:
0x0: {  	(tag) =	ssettag $0x1  }
0x1: {  	s0 =	rddreg [dreg:$0x0];
	s1 =	srdreg.scid  }
0x2: {  	s8 =	stileid.u32;
	s5 =	rddreg [dreg:$0x1]  }
0x3: {  	s2 =	simm.s32 $0x0;
	s16 =	simm.s32 $0x3;
	s18 =	simm.s32 $0x100  }
0x4: {  	s19 =	simm.s32 $0x1800;
	s20 =	simm.s32 $0x9800;
	s21 =	simm.s32 $0x1  }
0x5: {  	s22 =	simm.s32 $0x2;
	s25 =	simm.s32 $0x400;
	s26 =	simm.s32 $0x500  }
0x6: {  	s28 =	simm.s32 $0x600;
	s29 =	simm.s32 $0x700;
	s30 =	simm.s32 $0x0  }
0x7: {  	s1 =	sand.u32 $0x1, s1;
	s3 =	sshll.u32 s8, $0x1;
	[smem:$0x7FF] =	sst s2  }
0x8: {  	s8 =	sshll.u32 s8, $0x11;
	s6 =	sor.u32 s1, s3;
	_ =	strace $0x80000047  }
0x9: {  	s9 =	ssub.s32 $0x2, s1;
	s1 =	sshll.u32 s1, $0x10;
	s3 =	sshll.u32 s6, $0x8  }
0xa: {  	s7 =	sshll.u32 s6, $0xF;
	s31 =	sshrl.u32 s9, $0x1;
	s6 =	sshll.u32 s6, $0x9  }
0xb: {  	s4 =	sadd.s32 s3, s0;
	s3 =	sadd.s32 $0x1A00, s0;
	s14 =	sadd.s32 s7, s0  }
0xc: {  	s0 =	sadd.s32 s8, s0;
	s7 =	ssub.s32 s9, s31;
	s5 =	sadd.s32 s5, s6  }
0xd: {  	s4 =	sadd.s32 $0x21A00, s4;
	s6 =	smax.u32 s7, $0x1;
	s7 =	sadd.s32 $0x23A00, s14  }
0xe: {  	s8 =	sadd.s32 $0x24A00, s14;
	s9 =	sadd.s32 $0x25A00, s14;
	s10 =	sadd.s32 $0x26A00, s14  }
0xf: {  	s11 =	sadd.s32 $0x27A00, s14;
	s12 =	sadd.s32 $0x28A00, s14;
	s0 =	sadd.s32 s1, s0  }
0x10: {  	s13 =	sadd.s32 $0x29A00, s14;
	s14 =	sadd.s32 $0x2AA00, s14;
	s15 =	sadd.s32 $0x123A00, s0  }
.LBB2_1:
0x11: {  	[tilespmem:s2], [sflag:$0x3] =	stream.linear.gather [hbm4b:s4+s2], $0x800, $0x38;
	[tilespmem:$0x11800] =	vst v63  }
0x12: {  	_ =	swait.ge [sflag:s16], $0x800  }
0x13: {  	[sflag:s16] =	ssyncset.done $0x0  }
0x14: {  	s0 =	simm.s32 $0x800;
	[sflag:s16] =	ssyncadd.s32 $0xFFFFF800  }
0x15: {  	[tilespmem:s0], [sflag:$0x3] =	stream.linear.gather [hbm4b:s5+s2], $0x1000, $0x38;
	[tilespmem:$0x11800] =	vst v63  }
0x16: {  	_ =	swait.ge [sflag:s16], $0x1000  }
0x17: {  	[sflag:s16] =	ssyncset.done $0x0  }
0x18: {  	[sflag:s16] =	ssyncadd.s32 $0xFFFFF000  }
0x19: {  	[tilespmem:s19], [sflag:$0x1] =	stream.indirect.gather [hbm4b:s3+s18], $0x80, s2, s18, $0xb8;
	[tilespmem:$0x11800] =	vst v63  }
0x1a: {  	_ = 	snop  }
0x1b: {  	[tilespmem:s20], [sflag:$0x1] =	stream.indirect.gather [hbm4b:s3+s18], $0x80, s18, s18, $0xb8;
	[tilespmem:$0x11800] =	vst v63  }
0x1c: {  	_ =	swait.ge [sflag:s21], $0x8000  }
0x1d: {  	[sflag:s21] =	ssyncset.done $0x0  }
0x1e: {  	[sflag:s21] =	ssyncadd.s32 $0xFFFF8000  }
0x1f: {  	[hbm4b:s7+s2] =	stream.linear.scatter [tilespmem:s19], [sflag:$0x2], $0x8000, $0x38;
	[tilespmem:$0x11800] =	vst v63  }
0x20: {  	_ =	swait.ge [sflag:s21], $0x8000  }
0x21: {  	[sflag:s21] =	ssyncset.done $0x0  }
0x22: {  	[sflag:s21] =	ssyncadd.s32 $0xFFFF8000  }
0x23: {  	[hbm4b:s8+s2] =	stream.linear.scatter [tilespmem:s20], [sflag:$0x2], $0x8000, $0x38;
	[tilespmem:$0x11800] =	vst v63  }
0x24: {  	_ =	swait.ge [sflag:s22], $0x8000  }
0x25: {  	[sflag:s22] =	ssyncset.done $0x0  }
0x26: {  	[sflag:s22] =	ssyncadd.s32 $0xFFFF8000  }
0x27: {  	_ =	swait.ge [sflag:s22], $0x8000  }
0x28: {  	[sflag:s22] =	ssyncset.done $0x0  }
0x29: {  	s24 =	simm.s32 $0x200;
	[sflag:s22] =	ssyncadd.s32 $0xFFFF8000  }
0x2a: {  	[tilespmem:s19], [sflag:$0x1] =	stream.indirect.gather [hbm4b:s3+s18], $0x80, s24, s18, $0xb8;
	[tilespmem:$0x11800] =	vst v63  }
0x2b: {  	s1 =	simm.s32 $0x300  }
0x2c: {  	[tilespmem:s20], [sflag:$0x1] =	stream.indirect.gather [hbm4b:s3+s18], $0x80, s1, s18, $0xb8;
	[tilespmem:$0x11800] =	vst v63  }
0x2d: {  	_ =	swait.ge [sflag:s21], $0x8000  }
0x2e: {  	[sflag:s21] =	ssyncset.done $0x0  }
0x2f: {  	[sflag:s21] =	ssyncadd.s32 $0xFFFF8000  }
0x30: {  	[hbm4b:s9+s2] =	stream.linear.scatter [tilespmem:s19], [sflag:$0x2], $0x8000, $0x38;
	[tilespmem:$0x11800] =	vst v63  }
0x31: {  	_ =	swait.ge [sflag:s21], $0x8000  }
0x32: {  	[sflag:s21] =	ssyncset.done $0x0  }
0x33: {  	[sflag:s21] =	ssyncadd.s32 $0xFFFF8000  }
0x34: {  	[hbm4b:s10+s2] =	stream.linear.scatter [tilespmem:s20], [sflag:$0x2], $0x8000, $0x38;
	[tilespmem:$0x11800] =	vst v63  }
0x35: {  	_ =	swait.ge [sflag:s22], $0x8000  }
0x36: {  	[sflag:s22] =	ssyncset.done $0x0  }
0x37: {  	[sflag:s22] =	ssyncadd.s32 $0xFFFF8000  }
0x38: {  	_ =	swait.ge [sflag:s22], $0x8000  }
0x39: {  	[sflag:s22] =	ssyncset.done $0x0  }
0x3a: {  	[sflag:s22] =	ssyncadd.s32 $0xFFFF8000  }
0x3b: {  	[tilespmem:s19], [sflag:$0x1] =	stream.indirect.gather [hbm4b:s3+s18], $0x80, s25, s18, $0xb8;
	[tilespmem:$0x11800] =	vst v63  }
0x3c: {  	_ = 	snop  }
0x3d: {  	[tilespmem:s20], [sflag:$0x1] =	stream.indirect.gather [hbm4b:s3+s18], $0x80, s26, s18, $0xb8;
	[tilespmem:$0x11800] =	vst v63  }
0x3e: {  	_ =	swait.ge [sflag:s21], $0x8000  }
0x3f: {  	[sflag:s21] =	ssyncset.done $0x0  }
0x40: {  	[sflag:s21] =	ssyncadd.s32 $0xFFFF8000  }
0x41: {  	[hbm4b:s11+s2] =	stream.linear.scatter [tilespmem:s19], [sflag:$0x2], $0x8000, $0x38;
	[tilespmem:$0x11800] =	vst v63  }
0x42: {  	_ =	swait.ge [sflag:s21], $0x8000  }
0x43: {  	[sflag:s21] =	ssyncset.done $0x0  }
0x44: {  	[sflag:s21] =	ssyncadd.s32 $0xFFFF8000  }
0x45: {  	[hbm4b:s12+s2] =	stream.linear.scatter [tilespmem:s20], [sflag:$0x2], $0x8000, $0x38;
	[tilespmem:$0x11800] =	vst v63  }
0x46: {  	_ =	swait.ge [sflag:s22], $0x8000  }
0x47: {  	[sflag:s22] =	ssyncset.done $0x0  }
0x48: {  	[sflag:s22] =	ssyncadd.s32 $0xFFFF8000  }
0x49: {  	_ =	swait.ge [sflag:s22], $0x8000  }
0x4a: {  	[sflag:s22] =	ssyncset.done $0x0  }
0x4b: {  	[sflag:s22] =	ssyncadd.s32 $0xFFFF8000  }
0x4c: {  	[tilespmem:s19], [sflag:$0x1] =	stream.indirect.gather [hbm4b:s3+s18], $0x80, s28, s18, $0xb8;
	[tilespmem:$0x11800] =	vst v63  }
0x4d: {  	_ = 	snop  }
0x4e: {  	[tilespmem:s20], [sflag:$0x1] =	stream.indirect.gather [hbm4b:s3+s18], $0x80, s29, s18, $0xb8;
	[tilespmem:$0x11800] =	vst v63  }
0x4f: {  	_ =	swait.ge [sflag:s21], $0x8000  }
0x50: {  	[sflag:s21] =	ssyncset.done $0x0  }
0x51: {  	[sflag:s21] =	ssyncadd.s32 $0xFFFF8000  }
0x52: {  	[hbm4b:s13+s2] =	stream.linear.scatter [tilespmem:s19], [sflag:$0x2], $0x8000, $0x38;
	[tilespmem:$0x11800] =	vst v63  }
0x53: {  	_ =	swait.ge [sflag:s21], $0x8000  }
0x54: {  	[sflag:s21] =	ssyncset.done $0x0  }
0x55: {  	[sflag:s21] =	ssyncadd.s32 $0xFFFF8000  }
0x56: {  	[hbm4b:s14+s2] =	stream.linear.scatter [tilespmem:s20], [sflag:$0x2], $0x8000, $0x38;
	[tilespmem:$0x11800] =	vst v63  }
0x57: {  	_ =	swait.ge [sflag:s22], $0x8000  }
0x58: {  	[sflag:s22] =	ssyncset.done $0x0  }
0x59: {  	[sflag:s22] =	ssyncadd.s32 $0xFFFF8000  }
0x5a: {  	_ =	swait.ge [sflag:s22], $0x8000  }
0x5b: {  	[sflag:s22] =	ssyncset.done $0x0  }
0x5c: {  	s17 =	simm.s32 $0x800;
	[sflag:s22] =	ssyncadd.s32 $0xFFFF8000  }
0x5d: {  	[tilespmem:s19], [sflag:$0x1] =	stream.indirect.gather [hbm4b:s3+s18], $0x80, s17, s18, $0xb8;
	[tilespmem:$0x11800] =	vst v63  }
0x5e: {  	s23 =	simm.s32 $0x900  }
0x5f: {  	[tilespmem:s20], [sflag:$0x1] =	stream.indirect.gather [hbm4b:s3+s18], $0x80, s23, s18, $0xb8;
	[tilespmem:$0x11800] =	vst v63  }
0x60: {  	_ =	swait.ge [sflag:s21], $0x8000  }
0x61: {  	[sflag:s21] =	ssyncset.done $0x0  }
0x62: {  	[sflag:s21] =	ssyncadd.s32 $0xFFFF8000  }
0x63: {  	[hbm4b:s15+s2] =	stream.linear.scatter [tilespmem:s19], [sflag:$0x2], $0x8000, $0x38;
	[tilespmem:$0x11800] =	vst v63  }
0x64: {  	_ =	swait.ge [sflag:s21], $0x8000  }
0x65: {  	[sflag:s21] =	ssyncset.done $0x0  }
0x66: {  	s24 =	sadd.s32 $0x1000, s15;
	[sflag:s21] =	ssyncadd.s32 $0xFFFF8000  }
0x67: {  	[hbm4b:s24+s2] =	stream.linear.scatter [tilespmem:s20], [sflag:$0x2], $0x8000, $0x38;
	[tilespmem:$0x11800] =	vst v63  }
0x68: {  	_ =	swait.ge [sflag:s22], $0x8000  }
0x69: {  	[sflag:s22] =	ssyncset.done $0x0  }
0x6a: {  	[sflag:s22] =	ssyncadd.s32 $0xFFFF8000  }
0x6b: {  	s31 =	sadd.s32 $0x2000, s15;
	_ =	swait.ge [sflag:s22], $0x8000  }
0x6c: {  	s0 =	simm.s32 $0x1000;
	s1 =	simm.s32 $0x200;
	[sflag:s22] =	ssyncset.done $0x0  }
.LBB2_2:
0x6d: {  	s17 =	sadd.s32 $0x800, s1  }
0x6e: {  	[sflag:s22] =	ssyncadd.s32 $0xFFFF8000;
	s23 =	smov.u32 s0;
	s24 =	sadd.s32 $0x800, s0  }
0x6f: {  	[tilespmem:s19], [sflag:$0x1] =	stream.indirect.gather [hbm4b:s3+s18], $0x80, s17, s18, $0xb8;
	[tilespmem:$0x11800] =	vst v63  }
0x70: {  	p0 =	sne.s32 s0, $0x3800;
	s0 =	sadd.s32 $0x900, s1  }
0x71: {  	[tilespmem:s20], [sflag:$0x1] =	stream.indirect.gather [hbm4b:s3+s18], $0x80, s0, s18, $0xb8;
	[tilespmem:$0x11800] =	vst v63  }
0x72: {  	_ =	swait.ge [sflag:s21], $0x8000  }
0x73: {  	[sflag:s21] =	ssyncset.done $0x0  }
0x74: {  	[sflag:s21] =	ssyncadd.s32 $0xFFFF8000  }
0x75: {  	[hbm4b:s31+s2] =	stream.linear.scatter [tilespmem:s19], [sflag:$0x2], $0x8000, $0x38;
	[tilespmem:$0x11800] =	vst v63  }
0x76: {  	_ =	swait.ge [sflag:s21], $0x8000  }
0x77: {  	[sflag:s21] =	ssyncset.done $0x0  }
0x78: {  	s0 =	sadd.s32 $0x1000, s31;
	[sflag:s21] =	ssyncadd.s32 $0xFFFF8000  }
0x79: {  	[hbm4b:s0+s2] =	stream.linear.scatter [tilespmem:s20], [sflag:$0x2], $0x8000, $0x38;
	[tilespmem:$0x11800] =	vst v63  }
.Ltmp0:
0x7a: {  	_ =	swait.ge [sflag:s22], $0x8000;
	(pc) =	sbr.rel @p0 .LBB2_2-.Ltmp0, $4  }
0x7b: {  	[sflag:s22] =	ssyncset.done $0x0  }
0x7c: {  	[sflag:s22] =	ssyncadd.s32 $0xFFFF8000  }
0x7d: {  	s1 =	sshra.s32 s23, $0x2;
	_ =	swait.ge [sflag:s22], $0x8000  }
0x7e: {  	s31 =	sadd.s32 $0x2000, s31;
	s0 =	smov.u32 s24;
	[sflag:s22] =	ssyncset.done $0x0  }
0x7f: {  	s0 =	sadd.s32 $0x800, s1;
	[sflag:s22] =	ssyncadd.s32 $0xFFFF8000  }
0x80: {  	[tilespmem:s19], [sflag:$0x1] =	stream.indirect.gather [hbm4b:s3+s18], $0x80, s0, s18, $0xb8;
	[tilespmem:$0x11800] =	vst v63  }
0x81: {  	s24 =	sadd.s32 $0x900, s1  }
0x82: {  	[tilespmem:s20], [sflag:$0x1] =	stream.indirect.gather [hbm4b:s3+s18], $0x80, s24, s18, $0xb8;
	[tilespmem:$0x11800] =	vst v63  }
0x83: {  	_ =	swait.ge [sflag:s21], $0x8000  }
0x84: {  	[sflag:s21] =	ssyncset.done $0x0  }
0x85: {  	[sflag:s21] =	ssyncadd.s32 $0xFFFF8000  }
0x86: {  	[hbm4b:s31+s2] =	stream.linear.scatter [tilespmem:s19], [sflag:$0x2], $0x8000, $0x38;
	[tilespmem:$0x11800] =	vst v63  }
0x87: {  	_ =	swait.ge [sflag:s21], $0x8000  }
0x88: {  	[sflag:s21] =	ssyncset.done $0x0  }
0x89: {  	s30 =	sadd.s32 $0x1, s30;
	s31 =	sadd.s32 $0x1000, s31;
	[sflag:s21] =	ssyncadd.s32 $0xFFFF8000  }
0x8a: {  	[hbm4b:s31+s2] =	stream.linear.scatter [tilespmem:s20], [sflag:$0x2], $0x8000, $0x38;
	[tilespmem:$0x11800] =	vst v63  }
0x8b: {  	p0 =	sne.s32 s30, s6;
	_ =	swait.ge [sflag:s22], $0x8000  }
.Ltmp1:
0x8c: {  	[sflag:s22] =	ssyncset.done $0x0;
	(pc) =	sbr.rel @p0 .LBB2_1-.Ltmp1, $4  }
0x8d: {  	[sflag:s22] =	ssyncadd.s32 $0xFFFF8000  }
0x8e: {  	_ =	swait.ge [sflag:s22], $0x8000  }
0x8f: {  	[sflag:s22] =	ssyncset.done $0x0  }
0x90: {  	[sflag:s22] =	ssyncadd.s32 $0xFFFF8000  }
0x91: {  	_ =	sfence.sel $0x180000  }
0x92: {  	[bflag:$0x0] =	sbarrier.arrive $0xFFFF  }
0x93: {  	_ =	strace $0x90000047  }
0x94: {  	s0 =	stileid.u32;
	[bflag:$0x2] =	sbarrier.arrive $0xFFFF  }
0x95: {  	p0 =	sne.s32 s0, $0x0;
	s0 =	rddreg [dreg:$0x2]  }
0x96: {  	s0 =	sadd.s32 @!p0 $0x100000, s0  }
0x97: {  	[sflag:s0] =	ssyncadd.tile.s32 @!p0 $0x1;
	_ =	shalt  }
.Lfunc_end2:
_tile_overlayer_lowered:
.L_overlay_start_2:
0x98: {  	(tag) =	ssettag $0x2  }
0x99: {  	s0 =	rddreg [dreg:$0x0];
	s2 =	stileid.u32  }
0x9a: {  	s1 =	rddreg [dreg:$0x1];
	p0 =	sne.s32 s2, $0x0  }
0x9b: {  	s3 =	rddreg [dreg:$0x2];
	[bflag:$0x3] =	sbarrier.arrive $0xFFFF;
	s2 =	simm.s32 @!p0 $0x1C03  }
0x9c: {  	[timem:s3], [sflag:s2] =	dma.local @!p0 [hbm:s0], s1  }
0x9d: {  	s0 =	simm.s32 @!p0 $0x3  }
0x9e: {  	_ =	swait.ge @!p0 [sflag:s0], s1  }
0x9f: {  	s1 =	ssub.s32 @!p0 $0x0, s1;
	[sflag:s0] =	ssyncset.done @!p0 $0x0  }
0xa0: {  	[sflag:s0] =	ssyncadd.s32 @!p0 s1  }
0xa1: {  	[bflag:$0x3] =	sbarrier.arrive $0xFFFF  }
0xa2: {  	_ =	shalt  }

</sc_bundles>
